<compile_context>
chip_gen: v7x
topology: tpu7x:2x2x1
jax: 0.10.2.dev20260603
libtpu: 0.0.44.dev20260713+nightly
codegen_flags: <defaults>
</compile_context>

<pallas_src>
import jax
import jax.numpy as jnp
from jax import lax
from jax.experimental import pallas as pl
from jax.experimental.pallas import tpu as pltpu
from jax.experimental.pallas import tpu_sc as plsc

N = 10000
E = 160000
D_IN = 256
D_HID = 512
D_OUT = 256
HF = 128
NC, NS = 2, 16
NW = NC * NS
K = 125
EPT = E // NS
NCH = EPT // K
NP = 10240
RPT = NP // NS
DW = 16

_MESH = dict(core_axis_name="c", subcore_axis_name="s", num_cores=NC,
             num_subcores=NS)
_NOTILE = pltpu.CompilerParams(use_tc_tiling_on_sc=False)


def _deg_body(edges4, ones_hbm, zeros_hbm, deg_out, idx_v, ones_v, deg_sh):
    c = lax.axis_index("c")
    s = lax.axis_index("s")
    w = c * NS + s
    pltpu.sync_copy(zeros_hbm, deg_sh.at[pl.ds(s * RPT, RPT)])
    pltpu.sync_copy(ones_hbm, ones_v)
    pltpu.sync_copy(edges4.at[w], idx_v)
    plsc.subcore_barrier()

    def chunk(j, carry):
        pltpu.sync_copy(ones_v, deg_sh.at[idx_v.at[j]], add=True)
        return carry

    lax.fori_loop(0, NCH, chunk, 0)
    plsc.subcore_barrier()
    pltpu.sync_copy(deg_sh.at[pl.ds(s * RPT, RPT)],
                    deg_out.at[pl.ds(c * NP + s * RPT, RPT)])


def _agg_body(hh, er, zeros_hbm, out, sidx, didx, msg0, msg1, msg2, msg3,
              acc_sh, sem0, sem1, sem2, sem3):
    c = lax.axis_index("c")
    s = lax.axis_index("s")
    ht = hh.at[pl.ds(c * NP, NP)]
    bufs = (msg0, msg1, msg2, msg3)
    sems = (sem0, sem1, sem2, sem3)
    pltpu.sync_copy(zeros_hbm, acc_sh.at[pl.ds(s * RPT, RPT)])
    pltpu.sync_copy(er.at[NS + s], didx)
    pltpu.sync_copy(er.at[s], sidx)
    plsc.subcore_barrier()

    for u in range(4):
        pltpu.async_copy(ht.at[sidx.at[u]], bufs[u], sems[u])

    def quad(jj, carry):
        t0 = jj * 4
        for u in range(4):
            t = t0 + u
            pltpu.make_async_copy(ht.at[sidx.at[t]], bufs[u], sems[u]).wait()
            pltpu.sync_copy(bufs[u], acc_sh.at[didx.at[t]], add=True)

            @pl.when(t + 4 < NCH)
            def _():
                pltpu.async_copy(ht.at[sidx.at[t + 4]], bufs[u], sems[u])

        return carry

    lax.fori_loop(0, NCH // 4, quad, 0)
    plsc.subcore_barrier()
    pltpu.sync_copy(acc_sh.at[pl.ds(s * RPT, RPT)],
                    out.at[pl.ds(c * NP + s * RPT, RPT)])


def _sc_degrees(edges4, ones16, zeros16):
    f = pl.kernel(
        _deg_body,
        out_type=jax.ShapeDtypeStruct((2 * NP, DW), jnp.float32),
        mesh=plsc.VectorSubcoreMesh(**_MESH),
        scratch_types=[
            pltpu.VMEM((NCH, K), jnp.int32),
            pltpu.VMEM((K, DW), jnp.float32),
            pltpu.VMEM_SHARED((NP, DW), jnp.float32),
        ],
        compiler_params=_NOTILE,
    )
    return f(edges4, ones16, zeros16)


def _sc_aggregate(hh, er, zerosH):
    f = pl.kernel(
        _agg_body,
        out_type=jax.ShapeDtypeStruct((2 * NP, HF), jnp.bfloat16),
        mesh=plsc.VectorSubcoreMesh(**_MESH),
        scratch_types=[
            pltpu.VMEM((NCH, K), jnp.int32),
            pltpu.VMEM((NCH, K), jnp.int32),
            pltpu.VMEM((K, HF), jnp.bfloat16),
            pltpu.VMEM((K, HF), jnp.bfloat16),
            pltpu.VMEM((K, HF), jnp.bfloat16),
            pltpu.VMEM((K, HF), jnp.bfloat16),
            pltpu.VMEM_SHARED((NP, HF), jnp.bfloat16),
            pltpu.SemaphoreType.DMA,
            pltpu.SemaphoreType.DMA,
            pltpu.SemaphoreType.DMA,
            pltpu.SemaphoreType.DMA,
        ],
        compiler_params=_NOTILE,
    )
    return f(hh, er, zerosH)


BN = 640


def _norm(deg_ref):
    d = deg_ref[:, 0:1]
    return jnp.where(d > 0, lax.rsqrt(jnp.maximum(d, 1e-12)), 0.0)


def _prescale_body(ds_ref, x_ref, hh_ref):
    h = (x_ref[...] * _norm(ds_ref)).astype(jnp.bfloat16)
    hh_ref[0] = h[:, :HF]
    hh_ref[1] = h[:, HF:]


def _tc_prescale(deg, x):
    return pl.pallas_call(
        _prescale_body,
        grid=(NP // BN,),
        in_specs=[pl.BlockSpec((BN, DW), lambda i: (i, 0)),
                  pl.BlockSpec((BN, D_IN), lambda i: (i, 0))],
        out_specs=pl.BlockSpec((2, BN, HF), lambda i: (0, i, 0)),
        out_shape=jax.ShapeDtypeStruct((2, NP, HF), jnp.bfloat16),
    )(deg, x)


def _mid_body(dd_ref, ds_ref, agg_ref, w1_ref, b1_ref, w2_ref, zh_ref):
    i = pl.program_id(0)
    a = agg_ref[pl.ds(i * BN, BN), :]
    b = agg_ref[pl.ds(NP + i * BN, BN), :]
    nd = _norm(dd_ref).astype(jnp.bfloat16)
    agg = jnp.concatenate([a, b], axis=1) * nd
    t = jnp.dot(agg, w1_ref[...], preferred_element_type=jnp.float32)
    t = jnp.maximum(t + b1_ref[...], 0.0)
    tb = (t * _norm(ds_ref)).astype(jnp.bfloat16)
    z = (jnp.dot(tb, w2_ref[...],
                 preferred_element_type=jnp.float32)).astype(jnp.bfloat16)
    zh_ref[0] = z[:, :HF]
    zh_ref[1] = z[:, HF:]


def _tc_mid(deg, agg1, w1, b1, w2):
    nb = NP // BN
    return pl.pallas_call(
        _mid_body,
        grid=(nb,),
        in_specs=[pl.BlockSpec((BN, DW), lambda i: (nb + i, 0)),
                  pl.BlockSpec((BN, DW), lambda i: (i, 0)),
                  pl.BlockSpec((2 * NP, HF), lambda i: (0, 0)),
                  pl.BlockSpec((D_IN, D_HID), lambda i: (0, 0)),
                  pl.BlockSpec((1, D_HID), lambda i: (0, 0)),
                  pl.BlockSpec((D_HID, D_OUT), lambda i: (0, 0))],
        out_specs=pl.BlockSpec((2, BN, HF), lambda i: (0, i, 0)),
        out_shape=jax.ShapeDtypeStruct((2, NP, HF), jnp.bfloat16),
    )(deg, deg, agg1, w1.astype(jnp.bfloat16), b1, w2.astype(jnp.bfloat16))


def _final_body(dd_ref, agg_ref, b2_ref, wp_ref, bp_ref, out_ref):
    i = pl.program_id(0)
    a = agg_ref[pl.ds(i * BN, BN), :]
    b = agg_ref[pl.ds(NP + i * BN, BN), :]
    agg = jnp.concatenate([a, b], axis=1).astype(jnp.float32) * _norm(dd_ref)
    x2 = jnp.maximum(agg + b2_ref[...], 0.0)
    logits = jnp.dot(x2, wp_ref[...], preferred_element_type=jnp.float32)
    out_ref[...] = jax.nn.sigmoid(logits + bp_ref[0, 0:1])


def _tc_final(deg, agg2, b2, wp, bp):
    nb = NP // BN
    return pl.pallas_call(
        _final_body,
        grid=(nb,),
        in_specs=[pl.BlockSpec((BN, DW), lambda i: (nb + i, 0)),
                  pl.BlockSpec((2 * NP, HF), lambda i: (0, 0)),
                  pl.BlockSpec((1, D_OUT), lambda i: (0, 0)),
                  pl.BlockSpec((D_OUT, 1), lambda i: (0, 0)),
                  pl.BlockSpec((1, 1), lambda i: (0, 0))],
        out_specs=pl.BlockSpec((BN, 1), lambda i: (i, 0)),
        out_shape=jax.ShapeDtypeStruct((NP, 1), jnp.float32),
    )(deg, agg2, b2, wp, bp)


def kernel(features, edge_index, edge_types, W1, b1, W2, b2, Wp, bp):
    er = edge_index.reshape(NW, NCH, K)
    ones16 = jnp.ones((K, DW), jnp.float32)
    zeros16 = jnp.zeros((RPT, DW), jnp.float32)
    zerosH = jnp.zeros((RPT, HF), jnp.bfloat16)

    deg = _sc_degrees(er, ones16, zeros16)
    hh = _tc_prescale(deg, features).reshape(2 * NP, HF)
    agg1 = _sc_aggregate(hh, er, zerosH)
    zh = _tc_mid(deg, agg1, W1, b1.reshape(1, D_HID), W2).reshape(2 * NP, HF)
    agg2 = _sc_aggregate(zh, er, zerosH)
    out = _tc_final(deg, agg2, b2.reshape(1, D_OUT), Wp, bp.reshape(1, 1))
    return out[:N, 0]

# --- scband reference (transcript-rebuilt; emitter-appended) ---
"""Pipeline reference for scband-gcnmodel2-13804024889639 (READ-ONLY COPY).

The authoritative reference and input builder live on the scoring server;
editing this copy changes nothing except your own understanding.
"""

import jax, jax.numpy as jnp
import numpy as np

N = 10000
E = 160000
D_IN = 256
D_HID = 512
D_OUT = 256


def setup_inputs(seed: int = 0) -> dict:
    key = jax.random.key(seed)
    ks = jax.random.split(key, 10)
    features = jax.random.normal(ks[0], (N, D_IN), dtype=jnp.float32)
    edge_index = jax.random.randint(ks[1], (2, E), 0, N, dtype=jnp.int32)
    edge_types = jax.random.randint(ks[2], (E,), 0, 4, dtype=jnp.int32)
    # GraphConv 1: in_feats -> hidden_size
    W1 = jax.random.normal(ks[3], (D_IN, D_HID), dtype=jnp.float32) * (1.0 / np.sqrt(D_IN))
    b1 = jnp.zeros((D_HID,), dtype=jnp.float32)
    # GraphConv 2: hidden_size -> out_feats
    W2 = jax.random.normal(ks[4], (D_HID, D_OUT), dtype=jnp.float32) * (1.0 / np.sqrt(D_HID))
    b2 = jnp.zeros((D_OUT,), dtype=jnp.float32)
    # pred: Linear(out_feats, 1)
    Wp = jax.random.normal(ks[5], (D_OUT, 1), dtype=jnp.float32) * (1.0 / np.sqrt(D_OUT))
    bp = jnp.zeros((1,), dtype=jnp.float32)
    return {"features": features, "edge_index": edge_index, "edge_types": edge_types,
            "W1": W1, "b1": b1, "W2": W2, "b2": b2, "Wp": Wp, "bp": bp}


def graph_conv(x, edge_index, W, b):
    # DGL GraphConv with norm='both': h = D_in^{-1/2} A (D_out^{-1/2} x) W + b
    src = edge_index[0]
    dst = edge_index[1]
    n = x.shape[0]
    ones = jnp.ones((src.shape[0],), dtype=x.dtype)
    deg_out = jnp.zeros((n,), dtype=x.dtype).at[src].add(ones)
    deg_in = jnp.zeros((n,), dtype=x.dtype).at[dst].add(ones)
    norm_src = jnp.where(deg_out > 0, jax.lax.rsqrt(jnp.maximum(deg_out, 1e-12)), 0.0)
    norm_dst = jnp.where(deg_in > 0, jax.lax.rsqrt(jnp.maximum(deg_in, 1e-12)), 0.0)
    h = x * norm_src[:, None]
    msgs = jnp.take(h, src, axis=0)
    agg = jnp.zeros_like(h).at[dst].add(msgs)
    agg = agg * norm_dst[:, None]
    return agg @ W + b


def reference(features, edge_index, edge_types, W1, b1, W2, b2, Wp, bp):
    # edge_types is accepted by the original forward signature but unused
    x = jax.nn.relu(graph_conv(features, edge_index, W1, b1))
    # dropout p=0.0 -> identity
    x = jax.nn.relu(graph_conv(x, edge_index, W2, b2))
    logits = (x @ Wp + bp)[:, 0]
    return jax.nn.sigmoid(logits)

if __name__ == "__main__":
    import jax
    _d = setup_inputs()
    print(jax.jit(kernel)(*tuple(_d.values())))

</pallas_src>

<mosaic_0001>
#map = affine_map<(d0, d1) -> (0, 0, 0)>
#map1 = affine_map<(d0, d1) -> (0, 0)>
module attributes {stable_mosaic.version = 14 : i64} {
  func.func @_deg_body(%arg0: i32, %arg1: i32, %arg2: memref<32x80x125xi32, #tpu.memory_space<hbm>>, %arg3: memref<125x16xf32, #tpu.memory_space<hbm>>, %arg4: memref<640x16xf32, #tpu.memory_space<hbm>>, %arg5: memref<20480x16xf32, #tpu.memory_space<hbm>>, %arg6: memref<80x125xi32, #tpu.memory_space<vmem>>, %arg7: memref<125x16xf32, #tpu.memory_space<vmem>>, %arg8: memref<10240x16xf32, #tpu.memory_space<vmem_shared>>) attributes {dimension_semantics = [#tpu.dimension_semantics<core_parallel>, #tpu.dimension_semantics<subcore_parallel>], iteration_bounds = array<i64: 2, 16>, scalar_prefetch = 0 : i64, scratch_operands = 3 : i64, tpu.core_type = #tpu.core_type<sc_vector_subcore>, window_params = [{transform_indices = #map}, {transform_indices = #map1}, {transform_indices = #map1}, {transform_indices = #map1}]} {
    %mul3A = arith.constant 16 : i32
    %mul3A_0 = arith.muli %arg0, %mul3A : i32
    %add3A = arith.addi %mul3A_0, %arg1 : i32
    %mul3A_1 = arith.constant 640 : i32
    %mul3A_2 = arith.muli %arg1, %mul3A_1 : i32
    "tpu.region"() ({
      %run_scoped3A = tpu.sem_alloc : memref<!tpu.dma_semaphore, #tpu.memory_space<semaphore_mem>>
      %dma_start3A = arith.constant 0 : i32
      %dma_start3A_16 = tpu.memref_slice %arg8[%mul3A_2, %dma_start3A] : memref<10240x16xf32, #tpu.memory_space<vmem_shared>> -> memref<640x16xf32, #tpu.memory_space<vmem_shared>>
      tpu.enqueue_dma source(%arg4 : memref<640x16xf32, #tpu.memory_space<hbm>>) target(%dma_start3A_16 : memref<640x16xf32, #tpu.memory_space<vmem_shared>>) target_semaphore(%run_scoped3A : memref<!tpu.dma_semaphore, #tpu.memory_space<semaphore_mem>>)
      %dma_wait3A = arith.constant 0 : i32
      %dma_wait3A_17 = tpu.memref_slice %arg8[%mul3A_2, %dma_wait3A] : memref<10240x16xf32, #tpu.memory_space<vmem_shared>> -> memref<640x16xf32, #tpu.memory_space<vmem_shared>>
      tpu.wait_dma2 semaphore(%run_scoped3A : memref<!tpu.dma_semaphore, #tpu.memory_space<semaphore_mem>>) src(%arg4 : memref<640x16xf32, #tpu.memory_space<hbm>>) dst(%dma_wait3A_17 : memref<640x16xf32, #tpu.memory_space<vmem_shared>>)
      tpu.yield
    }) : () -> ()
    "tpu.region"() ({
      %run_scoped3A = tpu.sem_alloc : memref<!tpu.dma_semaphore, #tpu.memory_space<semaphore_mem>>
      tpu.enqueue_dma source(%arg3 : memref<125x16xf32, #tpu.memory_space<hbm>>) target(%arg7 : memref<125x16xf32, #tpu.memory_space<vmem>>) target_semaphore(%run_scoped3A : memref<!tpu.dma_semaphore, #tpu.memory_space<semaphore_mem>>)
      tpu.wait_dma2 semaphore(%run_scoped3A : memref<!tpu.dma_semaphore, #tpu.memory_space<semaphore_mem>>) src(%arg3 : memref<125x16xf32, #tpu.memory_space<hbm>>) dst(%arg7 : memref<125x16xf32, #tpu.memory_space<vmem>>)
      tpu.yield
    }) : () -> ()
    "tpu.region"() ({
      %run_scoped3A = tpu.sem_alloc : memref<!tpu.dma_semaphore, #tpu.memory_space<semaphore_mem>>
      %dma_start3A = arith.constant 0 : i32
      %dma_start3A_16 = arith.constant 0 : i32
      %dma_start3A_17 = tpu.memref_slice %arg2[%add3A, %dma_start3A, %dma_start3A_16] : memref<32x80x125xi32, #tpu.memory_space<hbm>> -> memref<1x80x125xi32, #tpu.memory_space<hbm>>
      %dma_start3A_18 = tpu.memref_squeeze %dma_start3A_17 : memref<1x80x125xi32, #tpu.memory_space<hbm>> -> memref<80x125xi32, #tpu.memory_space<hbm>>
      %dma_start3A_19 = arith.constant 0 : i32
      %dma_start3A_20 = arith.constant 0 : i32
      %dma_start3A_21 = tpu.memref_slice %arg2[%add3A, %dma_start3A_19, %dma_start3A_20] : memref<32x80x125xi32, #tpu.memory_space<hbm>> -> memref<1x80x125xi32, #tpu.memory_space<hbm>>
      %dma_start3A_22 = tpu.memref_squeeze %dma_start3A_21 : memref<1x80x125xi32, #tpu.memory_space<hbm>> -> memref<80x125xi32, #tpu.memory_space<hbm>>
      tpu.enqueue_dma source(%dma_start3A_22 : memref<80x125xi32, #tpu.memory_space<hbm>>) target(%arg6 : memref<80x125xi32, #tpu.memory_space<vmem>>) target_semaphore(%run_scoped3A : memref<!tpu.dma_semaphore, #tpu.memory_space<semaphore_mem>>)
      %dma_wait3A = arith.constant 0 : i32
      %dma_wait3A_23 = arith.constant 0 : i32
      %dma_wait3A_24 = tpu.memref_slice %arg2[%add3A, %dma_wait3A, %dma_wait3A_23] : memref<32x80x125xi32, #tpu.memory_space<hbm>> -> memref<1x80x125xi32, #tpu.memory_space<hbm>>
      %dma_wait3A_25 = tpu.memref_squeeze %dma_wait3A_24 : memref<1x80x125xi32, #tpu.memory_space<hbm>> -> memref<80x125xi32, #tpu.memory_space<hbm>>
      %dma_wait3A_26 = arith.constant 0 : i32
      %dma_wait3A_27 = arith.constant 0 : i32
      %dma_wait3A_28 = tpu.memref_slice %arg2[%add3A, %dma_wait3A_26, %dma_wait3A_27] : memref<32x80x125xi32, #tpu.memory_space<hbm>> -> memref<1x80x125xi32, #tpu.memory_space<hbm>>
      %dma_wait3A_29 = tpu.memref_squeeze %dma_wait3A_28 : memref<1x80x125xi32, #tpu.memory_space<hbm>> -> memref<80x125xi32, #tpu.memory_space<hbm>>
      tpu.wait_dma2 semaphore(%run_scoped3A : memref<!tpu.dma_semaphore, #tpu.memory_space<semaphore_mem>>) src(%dma_wait3A_29 : memref<80x125xi32, #tpu.memory_space<hbm>>) dst(%arg6 : memref<80x125xi32, #tpu.memory_space<vmem>>)
      tpu.yield
    }) : () -> ()
    %barrier3A = arith.constant 0 : index
    tpu.barrier barrier_id(%barrier3A)
    %scan3A = arith.constant 0 : i32
    %scan3A_3 = arith.constant 0 : i32
    %scan3A_4 = arith.constant 80 : i32
    %scan3A_5 = arith.addi %scan3A_3, %scan3A_4 : i32
    %scan3A_6 = arith.constant 1 : i32
    scf.for %scan3A_16 = %scan3A_3 to %scan3A_5 step %scan3A_6  : i32 {
      "tpu.region"() ({
        %run_scoped3A = tpu.sem_alloc : memref<!tpu.dma_semaphore, #tpu.memory_space<semaphore_mem>>
        %dma_start3A = arith.constant 0 : i32
        %dma_start3A_17 = tpu.memref_slice %arg6[%scan3A_16, %dma_start3A] : memref<80x125xi32, #tpu.memory_space<vmem>> -> memref<1x125xi32, #tpu.memory_space<vmem>>
        %dma_start3A_18 = tpu.memref_squeeze %dma_start3A_17 : memref<1x125xi32, #tpu.memory_space<vmem>> -> memref<125xi32, #tpu.memory_space<vmem>>
        %dma_start3A_19 = arith.constant 0 : i32
        %dma_start3A_20 = arith.constant 0 : i32
        %dma_start3A_21 = tpu.memref_slice %arg8[%dma_start3A_19, %dma_start3A_20] : memref<10240x16xf32, #tpu.memory_space<vmem_shared>> -> memref<10240x16xf32, #tpu.memory_space<vmem_shared>>
        tpu.enqueue_indirect_dma source(%arg7 : memref<125x16xf32, #tpu.memory_space<vmem>>) target(%dma_start3A_21 : memref<10240x16xf32, #tpu.memory_space<vmem_shared>>) offsets(%dma_start3A_18 : memref<125xi32, #tpu.memory_space<vmem>>) semaphore(%run_scoped3A : memref<!tpu.dma_semaphore, #tpu.memory_space<semaphore_mem>>) {add = true}
        %dma_wait3A = arith.constant 0 : i32
        %dma_wait3A_22 = tpu.memref_slice %arg6[%scan3A_16, %dma_wait3A] : memref<80x125xi32, #tpu.memory_space<vmem>> -> memref<1x125xi32, #tpu.memory_space<vmem>>
        %dma_wait3A_23 = tpu.memref_squeeze %dma_wait3A_22 : memref<1x125xi32, #tpu.memory_space<vmem>> -> memref<125xi32, #tpu.memory_space<vmem>>
        %dma_wait3A_24 = arith.constant 0 : i32
        %dma_wait3A_25 = arith.constant 0 : i32
        %dma_wait3A_26 = tpu.memref_slice %arg8[%dma_wait3A_24, %dma_wait3A_25] : memref<10240x16xf32, #tpu.memory_space<vmem_shared>> -> memref<10240x16xf32, #tpu.memory_space<vmem_shared>>
        tpu.wait_indirect_dma semaphore(%run_scoped3A : memref<!tpu.dma_semaphore, #tpu.memory_space<semaphore_mem>>) src(%arg7 : memref<125x16xf32, #tpu.memory_space<vmem>>) dst(%dma_wait3A_26 : memref<10240x16xf32, #tpu.memory_space<vmem_shared>>)
        tpu.yield
      }) : () -> ()
    }
    %scan3A_7 = arith.constant 80 : i32
    %barrier3A_8 = arith.constant 0 : index
    tpu.barrier barrier_id(%barrier3A_8)
    %mul3A_9 = arith.constant 640 : i32
    %mul3A_10 = arith.muli %arg1, %mul3A_9 : i32
    %mul3A_11 = arith.constant 10240 : i32
    %mul3A_12 = arith.muli %arg0, %mul3A_11 : i32
    %mul3A_13 = arith.constant 640 : i32
    %mul3A_14 = arith.muli %arg1, %mul3A_13 : i32
    %add3A_15 = arith.addi %mul3A_12, %mul3A_14 : i32
    "tpu.region"() ({
      %run_scoped3A = tpu.sem_alloc : memref<!tpu.dma_semaphore, #tpu.memory_space<semaphore_mem>>
      %dma_start3A = arith.constant 0 : i32
      %dma_start3A_16 = tpu.memref_slice %arg5[%add3A_15, %dma_start3A] : memref<20480x16xf32, #tpu.memory_space<hbm>> -> memref<640x16xf32, #tpu.memory_space<hbm>>
      %dma_start3A_17 = arith.constant 0 : i32
      %dma_start3A_18 = tpu.memref_slice %arg8[%mul3A_10, %dma_start3A_17] : memref<10240x16xf32, #tpu.memory_space<vmem_shared>> -> memref<640x16xf32, #tpu.memory_space<vmem_shared>>
      tpu.enqueue_dma source(%dma_start3A_18 : memref<640x16xf32, #tpu.memory_space<vmem_shared>>) target(%dma_start3A_16 : memref<640x16xf32, #tpu.memory_space<hbm>>) target_semaphore(%run_scoped3A : memref<!tpu.dma_semaphore, #tpu.memory_space<semaphore_mem>>)
      %dma_wait3A = arith.constant 0 : i32
      %dma_wait3A_19 = tpu.memref_slice %arg5[%add3A_15, %dma_wait3A] : memref<20480x16xf32, #tpu.memory_space<hbm>> -> memref<640x16xf32, #tpu.memory_space<hbm>>
      %dma_wait3A_20 = arith.constant 0 : i32
      %dma_wait3A_21 = tpu.memref_slice %arg8[%mul3A_10, %dma_wait3A_20] : memref<10240x16xf32, #tpu.memory_space<vmem_shared>> -> memref<640x16xf32, #tpu.memory_space<vmem_shared>>
      tpu.wait_dma2 semaphore(%run_scoped3A : memref<!tpu.dma_semaphore, #tpu.memory_space<semaphore_mem>>) src(%dma_wait3A_21 : memref<640x16xf32, #tpu.memory_space<vmem_shared>>) dst(%dma_wait3A_19 : memref<640x16xf32, #tpu.memory_space<hbm>>)
      tpu.yield
    }) : () -> ()
    return
  }
}

#map = affine_map<(d0, d1) -> (0, 0)>
#map1 = affine_map<(d0, d1) -> (0, 0, 0)>
module attributes {stable_mosaic.version = 14 : i64} {
  func.func @_agg_body(%arg0: i32, %arg1: i32, %arg2: memref<20480x128xbf16, #tpu.memory_space<hbm>>, %arg3: memref<32x80x125xi32, #tpu.memory_space<hbm>>, %arg4: memref<640x128xbf16, #tpu.memory_space<hbm>>, %arg5: memref<20480x128xbf16, #tpu.memory_space<hbm>>, %arg6: memref<80x125xi32, #tpu.memory_space<vmem>>, %arg7: memref<80x125xi32, #tpu.memory_space<vmem>>, %arg8: memref<125x128xbf16, #tpu.memory_space<vmem>>, %arg9: memref<125x128xbf16, #tpu.memory_space<vmem>>, %arg10: memref<125x128xbf16, #tpu.memory_space<vmem>>, %arg11: memref<125x128xbf16, #tpu.memory_space<vmem>>, %arg12: memref<10240x128xbf16, #tpu.memory_space<vmem_shared>>, %arg13: memref<!tpu.dma_semaphore, #tpu.memory_space<semaphore_mem>>, %arg14: memref<!tpu.dma_semaphore, #tpu.memory_space<semaphore_mem>>, %arg15: memref<!tpu.dma_semaphore, #tpu.memory_space<semaphore_mem>>, %arg16: memref<!tpu.dma_semaphore, #tpu.memory_space<semaphore_mem>>) attributes {dimension_semantics = [#tpu.dimension_semantics<core_parallel>, #tpu.dimension_semantics<subcore_parallel>], iteration_bounds = array<i64: 2, 16>, scalar_prefetch = 0 : i64, scratch_operands = 11 : i64, tpu.core_type = #tpu.core_type<sc_vector_subcore>, window_params = [{transform_indices = #map}, {transform_indices = #map1}, {transform_indices = #map}, {transform_indices = #map}]} {
    %mul3A = arith.constant 10240 : i32
    %mul3A_0 = arith.muli %arg0, %mul3A : i32
    %mul3A_1 = arith.constant 640 : i32
    %mul3A_2 = arith.muli %arg1, %mul3A_1 : i32
    "tpu.region"() ({
      %run_scoped3A = tpu.sem_alloc : memref<!tpu.dma_semaphore, #tpu.memory_space<semaphore_mem>>
      %dma_start3A_52 = arith.constant 0 : i32
      %dma_start3A_53 = tpu.memref_slice %arg12[%mul3A_2, %dma_start3A_52] : memref<10240x128xbf16, #tpu.memory_space<vmem_shared>> -> memref<640x128xbf16, #tpu.memory_space<vmem_shared>>
      tpu.enqueue_dma source(%arg4 : memref<640x128xbf16, #tpu.memory_space<hbm>>) target(%dma_start3A_53 : memref<640x128xbf16, #tpu.memory_space<vmem_shared>>) target_semaphore(%run_scoped3A : memref<!tpu.dma_semaphore, #tpu.memory_space<semaphore_mem>>)
      %dma_wait3A = arith.constant 0 : i32
      %dma_wait3A_54 = tpu.memref_slice %arg12[%mul3A_2, %dma_wait3A] : memref<10240x128xbf16, #tpu.memory_space<vmem_shared>> -> memref<640x128xbf16, #tpu.memory_space<vmem_shared>>
      tpu.wait_dma2 semaphore(%run_scoped3A : memref<!tpu.dma_semaphore, #tpu.memory_space<semaphore_mem>>) src(%arg4 : memref<640x128xbf16, #tpu.memory_space<hbm>>) dst(%dma_wait3A_54 : memref<640x128xbf16, #tpu.memory_space<vmem_shared>>)
      tpu.yield
    }) : () -> ()
    %add3A = arith.constant 16 : i32
    %add3A_3 = arith.addi %add3A, %arg1 : i32
    "tpu.region"() ({
      %run_scoped3A = tpu.sem_alloc : memref<!tpu.dma_semaphore, #tpu.memory_space<semaphore_mem>>
      %dma_start3A_52 = arith.constant 0 : i32
      %dma_start3A_53 = arith.constant 0 : i32
      %dma_start3A_54 = tpu.memref_slice %arg3[%add3A_3, %dma_start3A_52, %dma_start3A_53] : memref<32x80x125xi32, #tpu.memory_space<hbm>> -> memref<1x80x125xi32, #tpu.memory_space<hbm>>
      %dma_start3A_55 = tpu.memref_squeeze %dma_start3A_54 : memref<1x80x125xi32, #tpu.memory_space<hbm>> -> memref<80x125xi32, #tpu.memory_space<hbm>>
      %dma_start3A_56 = arith.constant 0 : i32
      %dma_start3A_57 = arith.constant 0 : i32
      %dma_start3A_58 = tpu.memref_slice %arg3[%add3A_3, %dma_start3A_56, %dma_start3A_57] : memref<32x80x125xi32, #tpu.memory_space<hbm>> -> memref<1x80x125xi32, #tpu.memory_space<hbm>>
      %dma_start3A_59 = tpu.memref_squeeze %dma_start3A_58 : memref<1x80x125xi32, #tpu.memory_space<hbm>> -> memref<80x125xi32, #tpu.memory_space<hbm>>
      tpu.enqueue_dma source(%dma_start3A_59 : memref<80x125xi32, #tpu.memory_space<hbm>>) target(%arg7 : memref<80x125xi32, #tpu.memory_space<vmem>>) target_semaphore(%run_scoped3A : memref<!tpu.dma_semaphore, #tpu.memory_space<semaphore_mem>>)
      %dma_wait3A = arith.constant 0 : i32
      %dma_wait3A_60 = arith.constant 0 : i32
      %dma_wait3A_61 = tpu.memref_slice %arg3[%add3A_3, %dma_wait3A, %dma_wait3A_60] : memref<32x80x125xi32, #tpu.memory_space<hbm>> -> memref<1x80x125xi32, #tpu.memory_space<hbm>>
      %dma_wait3A_62 = tpu.memref_squeeze %dma_wait3A_61 : memref<1x80x125xi32, #tpu.memory_space<hbm>> -> memref<80x125xi32, #tpu.memory_space<hbm>>
      %dma_wait3A_63 = arith.constant 0 : i32
      %dma_wait3A_64 = arith.constant 0 : i32
      %dma_wait3A_65 = tpu.memref_slice %arg3[%add3A_3, %dma_wait3A_63, %dma_wait3A_64] : memref<32x80x125xi32, #tpu.memory_space<hbm>> -> memref<1x80x125xi32, #tpu.memory_space<hbm>>
      %dma_wait3A_66 = tpu.memref_squeeze %dma_wait3A_65 : memref<1x80x125xi32, #tpu.memory_space<hbm>> -> memref<80x125xi32, #tpu.memory_space<hbm>>
      tpu.wait_dma2 semaphore(%run_scoped3A : memref<!tpu.dma_semaphore, #tpu.memory_space<semaphore_mem>>) src(%dma_wait3A_66 : memref<80x125xi32, #tpu.memory_space<hbm>>) dst(%arg7 : memref<80x125xi32, #tpu.memory_space<vmem>>)
      tpu.yield
    }) : () -> ()
    "tpu.region"() ({
      %run_scoped3A = tpu.sem_alloc : memref<!tpu.dma_semaphore, #tpu.memory_space<semaphore_mem>>
      %dma_start3A_52 = arith.constant 0 : i32
      %dma_start3A_53 = arith.constant 0 : i32
      %dma_start3A_54 = tpu.memref_slice %arg3[%arg1, %dma_start3A_52, %dma_start3A_53] : memref<32x80x125xi32, #tpu.memory_space<hbm>> -> memref<1x80x125xi32, #tpu.memory_space<hbm>>
      %dma_start3A_55 = tpu.memref_squeeze %dma_start3A_54 : memref<1x80x125xi32, #tpu.memory_space<hbm>> -> memref<80x125xi32, #tpu.memory_space<hbm>>
      %dma_start3A_56 = arith.constant 0 : i32
      %dma_start3A_57 = arith.constant 0 : i32
      %dma_start3A_58 = tpu.memref_slice %arg3[%arg1, %dma_start3A_56, %dma_start3A_57] : memref<32x80x125xi32, #tpu.memory_space<hbm>> -> memref<1x80x125xi32, #tpu.memory_space<hbm>>
      %dma_start3A_59 = tpu.memref_squeeze %dma_start3A_58 : memref<1x80x125xi32, #tpu.memory_space<hbm>> -> memref<80x125xi32, #tpu.memory_space<hbm>>
      tpu.enqueue_dma source(%dma_start3A_59 : memref<80x125xi32, #tpu.memory_space<hbm>>) target(%arg6 : memref<80x125xi32, #tpu.memory_space<vmem>>) target_semaphore(%run_scoped3A : memref<!tpu.dma_semaphore, #tpu.memory_space<semaphore_mem>>)
      %dma_wait3A = arith.constant 0 : i32
      %dma_wait3A_60 = arith.constant 0 : i32
      %dma_wait3A_61 = tpu.memref_slice %arg3[%arg1, %dma_wait3A, %dma_wait3A_60] : memref<32x80x125xi32, #tpu.memory_space<hbm>> -> memref<1x80x125xi32, #tpu.memory_space<hbm>>
      %dma_wait3A_62 = tpu.memref_squeeze %dma_wait3A_61 : memref<1x80x125xi32, #tpu.memory_space<hbm>> -> memref<80x125xi32, #tpu.memory_space<hbm>>
      %dma_wait3A_63 = arith.constant 0 : i32
      %dma_wait3A_64 = arith.constant 0 : i32
      %dma_wait3A_65 = tpu.memref_slice %arg3[%arg1, %dma_wait3A_63, %dma_wait3A_64] : memref<32x80x125xi32, #tpu.memory_space<hbm>> -> memref<1x80x125xi32, #tpu.memory_space<hbm>>
      %dma_wait3A_66 = tpu.memref_squeeze %dma_wait3A_65 : memref<1x80x125xi32, #tpu.memory_space<hbm>> -> memref<80x125xi32, #tpu.memory_space<hbm>>
      tpu.wait_dma2 semaphore(%run_scoped3A : memref<!tpu.dma_semaphore, #tpu.memory_space<semaphore_mem>>) src(%dma_wait3A_66 : memref<80x125xi32, #tpu.memory_space<hbm>>) dst(%arg6 : memref<80x125xi32, #tpu.memory_space<vmem>>)
      tpu.yield
    }) : () -> ()
    %barrier3A = arith.constant 0 : index
    tpu.barrier barrier_id(%barrier3A)
    %dma_start3A = arith.constant 0 : i32
    %dma_start3A_4 = arith.constant 0 : i32
    %dma_start3A_5 = tpu.memref_slice %arg6[%dma_start3A, %dma_start3A_4] : memref<80x125xi32, #tpu.memory_space<vmem>> -> memref<1x125xi32, #tpu.memory_space<vmem>>
    %dma_start3A_6 = tpu.memref_squeeze %dma_start3A_5 : memref<1x125xi32, #tpu.memory_space<vmem>> -> memref<125xi32, #tpu.memory_space<vmem>>
    %dma_start3A_7 = arith.constant 0 : i32
    %dma_start3A_8 = tpu.memref_slice %arg2[%mul3A_0, %dma_start3A_7] : memref<20480x128xbf16, #tpu.memory_space<hbm>> -> memref<10240x128xbf16, #tpu.memory_space<hbm>>
    %dma_start3A_9 = arith.constant 0 : i32
    %dma_start3A_10 = arith.constant 0 : i32
    %dma_start3A_11 = tpu.memref_slice %dma_start3A_8[%dma_start3A_9, %dma_start3A_10] : memref<10240x128xbf16, #tpu.memory_space<hbm>> -> memref<10240x128xbf16, #tpu.memory_space<hbm>>
    tpu.enqueue_indirect_dma source(%dma_start3A_11 : memref<10240x128xbf16, #tpu.memory_space<hbm>>) target(%arg8 : memref<125x128xbf16, #tpu.memory_space<vmem>>) offsets(%dma_start3A_6 : memref<125xi32, #tpu.memory_space<vmem>>) semaphore(%arg13 : memref<!tpu.dma_semaphore, #tpu.memory_space<semaphore_mem>>)
    %dma_start3A_12 = arith.constant 1 : i32
    %dma_start3A_13 = arith.constant 0 : i32
    %dma_start3A_14 = tpu.memref_slice %arg6[%dma_start3A_12, %dma_start3A_13] : memref<80x125xi32, #tpu.memory_space<vmem>> -> memref<1x125xi32, #tpu.memory_space<vmem>>
    %dma_start3A_15 = tpu.memref_squeeze %dma_start3A_14 : memref<1x125xi32, #tpu.memory_space<vmem>> -> memref<125xi32, #tpu.memory_space<vmem>>
    %dma_start3A_16 = arith.constant 0 : i32
    %dma_start3A_17 = tpu.memref_slice %arg2[%mul3A_0, %dma_start3A_16] : memref<20480x128xbf16, #tpu.memory_space<hbm>> -> memref<10240x128xbf16, #tpu.memory_space<hbm>>
    %dma_start3A_18 = arith.constant 0 : i32
    %dma_start3A_19 = arith.constant 0 : i32
    %dma_start3A_20 = tpu.memref_slice %dma_start3A_17[%dma_start3A_18, %dma_start3A_19] : memref<10240x128xbf16, #tpu.memory_space<hbm>> -> memref<10240x128xbf16, #tpu.memory_space<hbm>>
    tpu.enqueue_indirect_dma source(%dma_start3A_20 : memref<10240x128xbf16, #tpu.memory_space<hbm>>) target(%arg9 : memref<125x128xbf16, #tpu.memory_space<vmem>>) offsets(%dma_start3A_15 : memref<125xi32, #tpu.memory_space<vmem>>) semaphore(%arg14 : memref<!tpu.dma_semaphore, #tpu.memory_space<semaphore_mem>>)
    %dma_start3A_21 = arith.constant 2 : i32
    %dma_start3A_22 = arith.constant 0 : i32
    %dma_start3A_23 = tpu.memref_slice %arg6[%dma_start3A_21, %dma_start3A_22] : memref<80x125xi32, #tpu.memory_space<vmem>> -> memref<1x125xi32, #tpu.memory_space<vmem>>
    %dma_start3A_24 = tpu.memref_squeeze %dma_start3A_23 : memref<1x125xi32, #tpu.memory_space<vmem>> -> memref<125xi32, #tpu.memory_space<vmem>>
    %dma_start3A_25 = arith.constant 0 : i32
    %dma_start3A_26 = tpu.memref_slice %arg2[%mul3A_0, %dma_start3A_25] : memref<20480x128xbf16, #tpu.memory_space<hbm>> -> memref<10240x128xbf16, #tpu.memory_space<hbm>>
    %dma_start3A_27 = arith.constant 0 : i32
    %dma_start3A_28 = arith.constant 0 : i32
    %dma_start3A_29 = tpu.memref_slice %dma_start3A_26[%dma_start3A_27, %dma_start3A_28] : memref<10240x128xbf16, #tpu.memory_space<hbm>> -> memref<10240x128xbf16, #tpu.memory_space<hbm>>
    tpu.enqueue_indirect_dma source(%dma_start3A_29 : memref<10240x128xbf16, #tpu.memory_space<hbm>>) target(%arg10 : memref<125x128xbf16, #tpu.memory_space<vmem>>) offsets(%dma_start3A_24 : memref<125xi32, #tpu.memory_space<vmem>>) semaphore(%arg15 : memref<!tpu.dma_semaphore, #tpu.memory_space<semaphore_mem>>)
    %dma_start3A_30 = arith.constant 3 : i32
    %dma_start3A_31 = arith.constant 0 : i32
    %dma_start3A_32 = tpu.memref_slice %arg6[%dma_start3A_30, %dma_start3A_31] : memref<80x125xi32, #tpu.memory_space<vmem>> -> memref<1x125xi32, #tpu.memory_space<vmem>>
    %dma_start3A_33 = tpu.memref_squeeze %dma_start3A_32 : memref<1x125xi32, #tpu.memory_space<vmem>> -> memref<125xi32, #tpu.memory_space<vmem>>
    %dma_start3A_34 = arith.constant 0 : i32
    %dma_start3A_35 = tpu.memref_slice %arg2[%mul3A_0, %dma_start3A_34] : memref<20480x128xbf16, #tpu.memory_space<hbm>> -> memref<10240x128xbf16, #tpu.memory_space<hbm>>
    %dma_start3A_36 = arith.constant 0 : i32
    %dma_start3A_37 = arith.constant 0 : i32
    %dma_start3A_38 = tpu.memref_slice %dma_start3A_35[%dma_start3A_36, %dma_start3A_37] : memref<10240x128xbf16, #tpu.memory_space<hbm>> -> memref<10240x128xbf16, #tpu.memory_space<hbm>>
    tpu.enqueue_indirect_dma source(%dma_start3A_38 : memref<10240x128xbf16, #tpu.memory_space<hbm>>) target(%arg11 : memref<125x128xbf16, #tpu.memory_space<vmem>>) offsets(%dma_start3A_33 : memref<125xi32, #tpu.memory_space<vmem>>) semaphore(%arg16 : memref<!tpu.dma_semaphore, #tpu.memory_space<semaphore_mem>>)
    %scan3A = arith.constant 0 : i32
    %scan3A_39 = arith.constant 0 : i32
    %scan3A_40 = arith.constant 20 : i32
    %scan3A_41 = arith.addi %scan3A_39, %scan3A_40 : i32
    %scan3A_42 = arith.constant 1 : i32
    scf.for %scan3A_52 = %scan3A_39 to %scan3A_41 step %scan3A_42  : i32 {
      %mul3A_53 = arith.constant 4 : i32
      %mul3A_54 = arith.muli %scan3A_52, %mul3A_53 : i32
      %add3A_55 = arith.constant 0 : i32
      %add3A_56 = arith.addi %mul3A_54, %add3A_55 : i32
      %dma_wait3A = arith.constant 0 : i32
      %dma_wait3A_57 = tpu.memref_slice %arg6[%add3A_56, %dma_wait3A] : memref<80x125xi32, #tpu.memory_space<vmem>> -> memref<1x125xi32, #tpu.memory_space<vmem>>
      %dma_wait3A_58 = tpu.memref_squeeze %dma_wait3A_57 : memref<1x125xi32, #tpu.memory_space<vmem>> -> memref<125xi32, #tpu.memory_space<vmem>>
      %dma_wait3A_59 = arith.constant 0 : i32
      %dma_wait3A_60 = tpu.memref_slice %arg2[%mul3A_0, %dma_wait3A_59] : memref<20480x128xbf16, #tpu.memory_space<hbm>> -> memref<10240x128xbf16, #tpu.memory_space<hbm>>
      %dma_wait3A_61 = arith.constant 0 : i32
      %dma_wait3A_62 = arith.constant 0 : i32
      %dma_wait3A_63 = tpu.memref_slice %dma_wait3A_60[%dma_wait3A_61, %dma_wait3A_62] : memref<10240x128xbf16, #tpu.memory_space<hbm>> -> memref<10240x128xbf16, #tpu.memory_space<hbm>>
      tpu.wait_indirect_dma semaphore(%arg13 : memref<!tpu.dma_semaphore, #tpu.memory_space<semaphore_mem>>) src(%dma_wait3A_63 : memref<10240x128xbf16, #tpu.memory_space<hbm>>) dst(%arg8 : memref<125x128xbf16, #tpu.memory_space<vmem>>)
      "tpu.region"() ({
        %run_scoped3A = tpu.sem_alloc : memref<!tpu.dma_semaphore, #tpu.memory_space<semaphore_mem>>
        %dma_start3A_119 = arith.constant 0 : i32
        %dma_start3A_120 = tpu.memref_slice %arg7[%add3A_56, %dma_start3A_119] : memref<80x125xi32, #tpu.memory_space<vmem>> -> memref<1x125xi32, #tpu.memory_space<vmem>>
        %dma_start3A_121 = tpu.memref_squeeze %dma_start3A_120 : memref<1x125xi32, #tpu.memory_space<vmem>> -> memref<125xi32, #tpu.memory_space<vmem>>
        %dma_start3A_122 = arith.constant 0 : i32
        %dma_start3A_123 = arith.constant 0 : i32
        %dma_start3A_124 = tpu.memref_slice %arg12[%dma_start3A_122, %dma_start3A_123] : memref<10240x128xbf16, #tpu.memory_space<vmem_shared>> -> memref<10240x128xbf16, #tpu.memory_space<vmem_shared>>
        tpu.enqueue_indirect_dma source(%arg8 : memref<125x128xbf16, #tpu.memory_space<vmem>>) target(%dma_start3A_124 : memref<10240x128xbf16, #tpu.memory_space<vmem_shared>>) offsets(%dma_start3A_121 : memref<125xi32, #tpu.memory_space<vmem>>) semaphore(%run_scoped3A : memref<!tpu.dma_semaphore, #tpu.memory_space<semaphore_mem>>) {add = true}
        %dma_wait3A_125 = arith.constant 0 : i32
        %dma_wait3A_126 = tpu.memref_slice %arg7[%add3A_56, %dma_wait3A_125] : memref<80x125xi32, #tpu.memory_space<vmem>> -> memref<1x125xi32, #tpu.memory_space<vmem>>
        %dma_wait3A_127 = tpu.memref_squeeze %dma_wait3A_126 : memref<1x125xi32, #tpu.memory_space<vmem>> -> memref<125xi32, #tpu.memory_space<vmem>>
        %dma_wait3A_128 = arith.constant 0 : i32
        %dma_wait3A_129 = arith.constant 0 : i32
        %dma_wait3A_130 = tpu.memref_slice %arg12[%dma_wait3A_128, %dma_wait3A_129] : memref<10240x128xbf16, #tpu.memory_space<vmem_shared>> -> memref<10240x128xbf16, #tpu.memory_space<vmem_shared>>
        tpu.wait_indirect_dma semaphore(%run_scoped3A : memref<!tpu.dma_semaphore, #tpu.memory_space<semaphore_mem>>) src(%arg8 : memref<125x128xbf16, #tpu.memory_space<vmem>>) dst(%dma_wait3A_130 : memref<10240x128xbf16, #tpu.memory_space<vmem_shared>>)
        tpu.yield
      }) : () -> ()
      %add3A_64 = arith.constant 4 : i32
      %add3A_65 = arith.addi %add3A_56, %add3A_64 : i32
      %lt3A = arith.constant 80 : i32
      %lt3A_66 = arith.cmpi slt, %add3A_65, %lt3A : i32
      %convert_element_type3A = arith.extui %lt3A_66 : i1 to i32
      %cond3A = arith.constant 0 : i32
      %cond3A_67 = arith.cmpi ne, %convert_element_type3A, %cond3A : i32
      scf.if %cond3A_67 {
        %add3A_119 = arith.constant 4 : i32
        %add3A_120 = arith.addi %add3A_56, %add3A_119 : i32
        %dma_start3A_121 = arith.constant 0 : i32
        %dma_start3A_122 = tpu.memref_slice %arg6[%add3A_120, %dma_start3A_121] : memref<80x125xi32, #tpu.memory_space<vmem>> -> memref<1x125xi32, #tpu.memory_space<vmem>>
        %dma_start3A_123 = tpu.memref_squeeze %dma_start3A_122 : memref<1x125xi32, #tpu.memory_space<vmem>> -> memref<125xi32, #tpu.memory_space<vmem>>
        %dma_start3A_124 = arith.constant 0 : i32
        %dma_start3A_125 = tpu.memref_slice %arg2[%mul3A_0, %dma_start3A_124] : memref<20480x128xbf16, #tpu.memory_space<hbm>> -> memref<10240x128xbf16, #tpu.memory_space<hbm>>
        %dma_start3A_126 = arith.constant 0 : i32
        %dma_start3A_127 = arith.constant 0 : i32
        %dma_start3A_128 = tpu.memref_slice %dma_start3A_125[%dma_start3A_126, %dma_start3A_127] : memref<10240x128xbf16, #tpu.memory_space<hbm>> -> memref<10240x128xbf16, #tpu.memory_space<hbm>>
        tpu.enqueue_indirect_dma source(%dma_start3A_128 : memref<10240x128xbf16, #tpu.memory_space<hbm>>) target(%arg8 : memref<125x128xbf16, #tpu.memory_space<vmem>>) offsets(%dma_start3A_123 : memref<125xi32, #tpu.memory_space<vmem>>) semaphore(%arg13 : memref<!tpu.dma_semaphore, #tpu.memory_space<semaphore_mem>>)
      } else {
      }
      %add3A_68 = arith.constant 1 : i32
      %add3A_69 = arith.addi %mul3A_54, %add3A_68 : i32
      %dma_wait3A_70 = arith.constant 0 : i32
      %dma_wait3A_71 = tpu.memref_slice %arg6[%add3A_69, %dma_wait3A_70] : memref<80x125xi32, #tpu.memory_space<vmem>> -> memref<1x125xi32, #tpu.memory_space<vmem>>
      %dma_wait3A_72 = tpu.memref_squeeze %dma_wait3A_71 : memref<1x125xi32, #tpu.memory_space<vmem>> -> memref<125xi32, #tpu.memory_space<vmem>>
      %dma_wait3A_73 = arith.constant 0 : i32
      %dma_wait3A_74 = tpu.memref_slice %arg2[%mul3A_0, %dma_wait3A_73] : memref<20480x128xbf16, #tpu.memory_space<hbm>> -> memref<10240x128xbf16, #tpu.memory_space<hbm>>
      %dma_wait3A_75 = arith.constant 0 : i32
      %dma_wait3A_76 = arith.constant 0 : i32
      %dma_wait3A_77 = tpu.memref_slice %dma_wait3A_74[%dma_wait3A_75, %dma_wait3A_76] : memref<10240x128xbf16, #tpu.memory_space<hbm>> -> memref<10240x128xbf16, #tpu.memory_space<hbm>>
      tpu.wait_indirect_dma semaphore(%arg14 : memref<!tpu.dma_semaphore, #tpu.memory_space<semaphore_mem>>) src(%dma_wait3A_77 : memref<10240x128xbf16, #tpu.memory_space<hbm>>) dst(%arg9 : memref<125x128xbf16, #tpu.memory_space<vmem>>)
      "tpu.region"() ({
        %run_scoped3A = tpu.sem_alloc : memref<!tpu.dma_semaphore, #tpu.memory_space<semaphore_mem>>
        %dma_start3A_119 = arith.constant 0 : i32
        %dma_start3A_120 = tpu.memref_slice %arg7[%add3A_69, %dma_start3A_119] : memref<80x125xi32, #tpu.memory_space<vmem>> -> memref<1x125xi32, #tpu.memory_space<vmem>>
        %dma_start3A_121 = tpu.memref_squeeze %dma_start3A_120 : memref<1x125xi32, #tpu.memory_space<vmem>> -> memref<125xi32, #tpu.memory_space<vmem>>
        %dma_start3A_122 = arith.constant 0 : i32
        %dma_start3A_123 = arith.constant 0 : i32
        %dma_start3A_124 = tpu.memref_slice %arg12[%dma_start3A_122, %dma_start3A_123] : memref<10240x128xbf16, #tpu.memory_space<vmem_shared>> -> memref<10240x128xbf16, #tpu.memory_space<vmem_shared>>
        tpu.enqueue_indirect_dma source(%arg9 : memref<125x128xbf16, #tpu.memory_space<vmem>>) target(%dma_start3A_124 : memref<10240x128xbf16, #tpu.memory_space<vmem_shared>>) offsets(%dma_start3A_121 : memref<125xi32, #tpu.memory_space<vmem>>) semaphore(%run_scoped3A : memref<!tpu.dma_semaphore, #tpu.memory_space<semaphore_mem>>) {add = true}
        %dma_wait3A_125 = arith.constant 0 : i32
        %dma_wait3A_126 = tpu.memref_slice %arg7[%add3A_69, %dma_wait3A_125] : memref<80x125xi32, #tpu.memory_space<vmem>> -> memref<1x125xi32, #tpu.memory_space<vmem>>
        %dma_wait3A_127 = tpu.memref_squeeze %dma_wait3A_126 : memref<1x125xi32, #tpu.memory_space<vmem>> -> memref<125xi32, #tpu.memory_space<vmem>>
        %dma_wait3A_128 = arith.constant 0 : i32
        %dma_wait3A_129 = arith.constant 0 : i32
        %dma_wait3A_130 = tpu.memref_slice %arg12[%dma_wait3A_128, %dma_wait3A_129] : memref<10240x128xbf16, #tpu.memory_space<vmem_shared>> -> memref<10240x128xbf16, #tpu.memory_space<vmem_shared>>
        tpu.wait_indirect_dma semaphore(%run_scoped3A : memref<!tpu.dma_semaphore, #tpu.memory_space<semaphore_mem>>) src(%arg9 : memref<125x128xbf16, #tpu.memory_space<vmem>>) dst(%dma_wait3A_130 : memref<10240x128xbf16, #tpu.memory_space<vmem_shared>>)
        tpu.yield
      }) : () -> ()
      %add3A_78 = arith.constant 4 : i32
      %add3A_79 = arith.addi %add3A_69, %add3A_78 : i32
      %lt3A_80 = arith.constant 80 : i32
      %lt3A_81 = arith.cmpi slt, %add3A_79, %lt3A_80 : i32
      %convert_element_type3A_82 = arith.extui %lt3A_81 : i1 to i32
      %cond3A_83 = arith.constant 0 : i32
      %cond3A_84 = arith.cmpi ne, %convert_element_type3A_82, %cond3A_83 : i32
      scf.if %cond3A_84 {
        %add3A_119 = arith.constant 4 : i32
        %add3A_120 = arith.addi %add3A_69, %add3A_119 : i32
        %dma_start3A_121 = arith.constant 0 : i32
        %dma_start3A_122 = tpu.memref_slice %arg6[%add3A_120, %dma_start3A_121] : memref<80x125xi32, #tpu.memory_space<vmem>> -> memref<1x125xi32, #tpu.memory_space<vmem>>
        %dma_start3A_123 = tpu.memref_squeeze %dma_start3A_122 : memref<1x125xi32, #tpu.memory_space<vmem>> -> memref<125xi32, #tpu.memory_space<vmem>>
        %dma_start3A_124 = arith.constant 0 : i32
        %dma_start3A_125 = tpu.memref_slice %arg2[%mul3A_0, %dma_start3A_124] : memref<20480x128xbf16, #tpu.memory_space<hbm>> -> memref<10240x128xbf16, #tpu.memory_space<hbm>>
        %dma_start3A_126 = arith.constant 0 : i32
        %dma_start3A_127 = arith.constant 0 : i32
        %dma_start3A_128 = tpu.memref_slice %dma_start3A_125[%dma_start3A_126, %dma_start3A_127] : memref<10240x128xbf16, #tpu.memory_space<hbm>> -> memref<10240x128xbf16, #tpu.memory_space<hbm>>
        tpu.enqueue_indirect_dma source(%dma_start3A_128 : memref<10240x128xbf16, #tpu.memory_space<hbm>>) target(%arg9 : memref<125x128xbf16, #tpu.memory_space<vmem>>) offsets(%dma_start3A_123 : memref<125xi32, #tpu.memory_space<vmem>>) semaphore(%arg14 : memref<!tpu.dma_semaphore, #tpu.memory_space<semaphore_mem>>)
      } else {
      }
      %add3A_85 = arith.constant 2 : i32
      %add3A_86 = arith.addi %mul3A_54, %add3A_85 : i32
      %dma_wait3A_87 = arith.constant 0 : i32
      %dma_wait3A_88 = tpu.memref_slice %arg6[%add3A_86, %dma_wait3A_87] : memref<80x125xi32, #tpu.memory_space<vmem>> -> memref<1x125xi32, #tpu.memory_space<vmem>>
      %dma_wait3A_89 = tpu.memref_squeeze %dma_wait3A_88 : memref<1x125xi32, #tpu.memory_space<vmem>> -> memref<125xi32, #tpu.memory_space<vmem>>
      %dma_wait3A_90 = arith.constant 0 : i32
      %dma_wait3A_91 = tpu.memref_slice %arg2[%mul3A_0, %dma_wait3A_90] : memref<20480x128xbf16, #tpu.memory_space<hbm>> -> memref<10240x128xbf16, #tpu.memory_space<hbm>>
      %dma_wait3A_92 = arith.constant 0 : i32
      %dma_wait3A_93 = arith.constant 0 : i32
      %dma_wait3A_94 = tpu.memref_slice %dma_wait3A_91[%dma_wait3A_92, %dma_wait3A_93] : memref<10240x128xbf16, #tpu.memory_space<hbm>> -> memref<10240x128xbf16, #tpu.memory_space<hbm>>
      tpu.wait_indirect_dma semaphore(%arg15 : memref<!tpu.dma_semaphore, #tpu.memory_space<semaphore_mem>>) src(%dma_wait3A_94 : memref<10240x128xbf16, #tpu.memory_space<hbm>>) dst(%arg10 : memref<125x128xbf16, #tpu.memory_space<vmem>>)
      "tpu.region"() ({
        %run_scoped3A = tpu.sem_alloc : memref<!tpu.dma_semaphore, #tpu.memory_space<semaphore_mem>>
        %dma_start3A_119 = arith.constant 0 : i32
        %dma_start3A_120 = tpu.memref_slice %arg7[%add3A_86, %dma_start3A_119] : memref<80x125xi32, #tpu.memory_space<vmem>> -> memref<1x125xi32, #tpu.memory_space<vmem>>
        %dma_start3A_121 = tpu.memref_squeeze %dma_start3A_120 : memref<1x125xi32, #tpu.memory_space<vmem>> -> memref<125xi32, #tpu.memory_space<vmem>>
        %dma_start3A_122 = arith.constant 0 : i32
        %dma_start3A_123 = arith.constant 0 : i32
        %dma_start3A_124 = tpu.memref_slice %arg12[%dma_start3A_122, %dma_start3A_123] : memref<10240x128xbf16, #tpu.memory_space<vmem_shared>> -> memref<10240x128xbf16, #tpu.memory_space<vmem_shared>>
        tpu.enqueue_indirect_dma source(%arg10 : memref<125x128xbf16, #tpu.memory_space<vmem>>) target(%dma_start3A_124 : memref<10240x128xbf16, #tpu.memory_space<vmem_shared>>) offsets(%dma_start3A_121 : memref<125xi32, #tpu.memory_space<vmem>>) semaphore(%run_scoped3A : memref<!tpu.dma_semaphore, #tpu.memory_space<semaphore_mem>>) {add = true}
        %dma_wait3A_125 = arith.constant 0 : i32
        %dma_wait3A_126 = tpu.memref_slice %arg7[%add3A_86, %dma_wait3A_125] : memref<80x125xi32, #tpu.memory_space<vmem>> -> memref<1x125xi32, #tpu.memory_space<vmem>>
        %dma_wait3A_127 = tpu.memref_squeeze %dma_wait3A_126 : memref<1x125xi32, #tpu.memory_space<vmem>> -> memref<125xi32, #tpu.memory_space<vmem>>
        %dma_wait3A_128 = arith.constant 0 : i32
        %dma_wait3A_129 = arith.constant 0 : i32
        %dma_wait3A_130 = tpu.memref_slice %arg12[%dma_wait3A_128, %dma_wait3A_129] : memref<10240x128xbf16, #tpu.memory_space<vmem_shared>> -> memref<10240x128xbf16, #tpu.memory_space<vmem_shared>>
        tpu.wait_indirect_dma semaphore(%run_scoped3A : memref<!tpu.dma_semaphore, #tpu.memory_space<semaphore_mem>>) src(%arg10 : memref<125x128xbf16, #tpu.memory_space<vmem>>) dst(%dma_wait3A_130 : memref<10240x128xbf16, #tpu.memory_space<vmem_shared>>)
        tpu.yield
      }) : () -> ()
      %add3A_95 = arith.constant 4 : i32
      %add3A_96 = arith.addi %add3A_86, %add3A_95 : i32
      %lt3A_97 = arith.constant 80 : i32
      %lt3A_98 = arith.cmpi slt, %add3A_96, %lt3A_97 : i32
      %convert_element_type3A_99 = arith.extui %lt3A_98 : i1 to i32
      %cond3A_100 = arith.constant 0 : i32
      %cond3A_101 = arith.cmpi ne, %convert_element_type3A_99, %cond3A_100 : i32
      scf.if %cond3A_101 {
        %add3A_119 = arith.constant 4 : i32
        %add3A_120 = arith.addi %add3A_86, %add3A_119 : i32
        %dma_start3A_121 = arith.constant 0 : i32
        %dma_start3A_122 = tpu.memref_slice %arg6[%add3A_120, %dma_start3A_121] : memref<80x125xi32, #tpu.memory_space<vmem>> -> memref<1x125xi32, #tpu.memory_space<vmem>>
        %dma_start3A_123 = tpu.memref_squeeze %dma_start3A_122 : memref<1x125xi32, #tpu.memory_space<vmem>> -> memref<125xi32, #tpu.memory_space<vmem>>
        %dma_start3A_124 = arith.constant 0 : i32
        %dma_start3A_125 = tpu.memref_slice %arg2[%mul3A_0, %dma_start3A_124] : memref<20480x128xbf16, #tpu.memory_space<hbm>> -> memref<10240x128xbf16, #tpu.memory_space<hbm>>
        %dma_start3A_126 = arith.constant 0 : i32
        %dma_start3A_127 = arith.constant 0 : i32
        %dma_start3A_128 = tpu.memref_slice %dma_start3A_125[%dma_start3A_126, %dma_start3A_127] : memref<10240x128xbf16, #tpu.memory_space<hbm>> -> memref<10240x128xbf16, #tpu.memory_space<hbm>>
        tpu.enqueue_indirect_dma source(%dma_start3A_128 : memref<10240x128xbf16, #tpu.memory_space<hbm>>) target(%arg10 : memref<125x128xbf16, #tpu.memory_space<vmem>>) offsets(%dma_start3A_123 : memref<125xi32, #tpu.memory_space<vmem>>) semaphore(%arg15 : memref<!tpu.dma_semaphore, #tpu.memory_space<semaphore_mem>>)
      } else {
      }
      %add3A_102 = arith.constant 3 : i32
      %add3A_103 = arith.addi %mul3A_54, %add3A_102 : i32
      %dma_wait3A_104 = arith.constant 0 : i32
      %dma_wait3A_105 = tpu.memref_slice %arg6[%add3A_103, %dma_wait3A_104] : memref<80x125xi32, #tpu.memory_space<vmem>> -> memref<1x125xi32, #tpu.memory_space<vmem>>
      %dma_wait3A_106 = tpu.memref_squeeze %dma_wait3A_105 : memref<1x125xi32, #tpu.memory_space<vmem>> -> memref<125xi32, #tpu.memory_space<vmem>>
      %dma_wait3A_107 = arith.constant 0 : i32
      %dma_wait3A_108 = tpu.memref_slice %arg2[%mul3A_0, %dma_wait3A_107] : memref<20480x128xbf16, #tpu.memory_space<hbm>> -> memref<10240x128xbf16, #tpu.memory_space<hbm>>
      %dma_wait3A_109 = arith.constant 0 : i32
      %dma_wait3A_110 = arith.constant 0 : i32
      %dma_wait3A_111 = tpu.memref_slice %dma_wait3A_108[%dma_wait3A_109, %dma_wait3A_110] : memref<10240x128xbf16, #tpu.memory_space<hbm>> -> memref<10240x128xbf16, #tpu.memory_space<hbm>>
      tpu.wait_indirect_dma semaphore(%arg16 : memref<!tpu.dma_semaphore, #tpu.memory_space<semaphore_mem>>) src(%dma_wait3A_111 : memref<10240x128xbf16, #tpu.memory_space<hbm>>) dst(%arg11 : memref<125x128xbf16, #tpu.memory_space<vmem>>)
      "tpu.region"() ({
        %run_scoped3A = tpu.sem_alloc : memref<!tpu.dma_semaphore, #tpu.memory_space<semaphore_mem>>
        %dma_start3A_119 = arith.constant 0 : i32
        %dma_start3A_120 = tpu.memref_slice %arg7[%add3A_103, %dma_start3A_119] : memref<80x125xi32, #tpu.memory_space<vmem>> -> memref<1x125xi32, #tpu.memory_space<vmem>>
        %dma_start3A_121 = tpu.memref_squeeze %dma_start3A_120 : memref<1x125xi32, #tpu.memory_space<vmem>> -> memref<125xi32, #tpu.memory_space<vmem>>
        %dma_start3A_122 = arith.constant 0 : i32
        %dma_start3A_123 = arith.constant 0 : i32
        %dma_start3A_124 = tpu.memref_slice %arg12[%dma_start3A_122, %dma_start3A_123] : memref<10240x128xbf16, #tpu.memory_space<vmem_shared>> -> memref<10240x128xbf16, #tpu.memory_space<vmem_shared>>
        tpu.enqueue_indirect_dma source(%arg11 : memref<125x128xbf16, #tpu.memory_space<vmem>>) target(%dma_start3A_124 : memref<10240x128xbf16, #tpu.memory_space<vmem_shared>>) offsets(%dma_start3A_121 : memref<125xi32, #tpu.memory_space<vmem>>) semaphore(%run_scoped3A : memref<!tpu.dma_semaphore, #tpu.memory_space<semaphore_mem>>) {add = true}
        %dma_wait3A_125 = arith.constant 0 : i32
        %dma_wait3A_126 = tpu.memref_slice %arg7[%add3A_103, %dma_wait3A_125] : memref<80x125xi32, #tpu.memory_space<vmem>> -> memref<1x125xi32, #tpu.memory_space<vmem>>
        %dma_wait3A_127 = tpu.memref_squeeze %dma_wait3A_126 : memref<1x125xi32, #tpu.memory_space<vmem>> -> memref<125xi32, #tpu.memory_space<vmem>>
        %dma_wait3A_128 = arith.constant 0 : i32
        %dma_wait3A_129 = arith.constant 0 : i32
        %dma_wait3A_130 = tpu.memref_slice %arg12[%dma_wait3A_128, %dma_wait3A_129] : memref<10240x128xbf16, #tpu.memory_space<vmem_shared>> -> memref<10240x128xbf16, #tpu.memory_space<vmem_shared>>
        tpu.wait_indirect_dma semaphore(%run_scoped3A : memref<!tpu.dma_semaphore, #tpu.memory_space<semaphore_mem>>) src(%arg11 : memref<125x128xbf16, #tpu.memory_space<vmem>>) dst(%dma_wait3A_130 : memref<10240x128xbf16, #tpu.memory_space<vmem_shared>>)
        tpu.yield
      }) : () -> ()
      %add3A_112 = arith.constant 4 : i32
      %add3A_113 = arith.addi %add3A_103, %add3A_112 : i32
      %lt3A_114 = arith.constant 80 : i32
      %lt3A_115 = arith.cmpi slt, %add3A_113, %lt3A_114 : i32
      %convert_element_type3A_116 = arith.extui %lt3A_115 : i1 to i32
      %cond3A_117 = arith.constant 0 : i32
      %cond3A_118 = arith.cmpi ne, %convert_element_type3A_116, %cond3A_117 : i32
      scf.if %cond3A_118 {
        %add3A_119 = arith.constant 4 : i32
        %add3A_120 = arith.addi %add3A_103, %add3A_119 : i32
        %dma_start3A_121 = arith.constant 0 : i32
        %dma_start3A_122 = tpu.memref_slice %arg6[%add3A_120, %dma_start3A_121] : memref<80x125xi32, #tpu.memory_space<vmem>> -> memref<1x125xi32, #tpu.memory_space<vmem>>
        %dma_start3A_123 = tpu.memref_squeeze %dma_start3A_122 : memref<1x125xi32, #tpu.memory_space<vmem>> -> memref<125xi32, #tpu.memory_space<vmem>>
        %dma_start3A_124 = arith.constant 0 : i32
        %dma_start3A_125 = tpu.memref_slice %arg2[%mul3A_0, %dma_start3A_124] : memref<20480x128xbf16, #tpu.memory_space<hbm>> -> memref<10240x128xbf16, #tpu.memory_space<hbm>>
        %dma_start3A_126 = arith.constant 0 : i32
        %dma_start3A_127 = arith.constant 0 : i32
        %dma_start3A_128 = tpu.memref_slice %dma_start3A_125[%dma_start3A_126, %dma_start3A_127] : memref<10240x128xbf16, #tpu.memory_space<hbm>> -> memref<10240x128xbf16, #tpu.memory_space<hbm>>
        tpu.enqueue_indirect_dma source(%dma_start3A_128 : memref<10240x128xbf16, #tpu.memory_space<hbm>>) target(%arg11 : memref<125x128xbf16, #tpu.memory_space<vmem>>) offsets(%dma_start3A_123 : memref<125xi32, #tpu.memory_space<vmem>>) semaphore(%arg16 : memref<!tpu.dma_semaphore, #tpu.memory_space<semaphore_mem>>)
      } else {
      }
    }
    %scan3A_43 = arith.constant 20 : i32
    %barrier3A_44 = arith.constant 0 : index
    tpu.barrier barrier_id(%barrier3A_44)
    %mul3A_45 = arith.constant 640 : i32
    %mul3A_46 = arith.muli %arg1, %mul3A_45 : i32
    %mul3A_47 = arith.constant 10240 : i32
    %mul3A_48 = arith.muli %arg0, %mul3A_47 : i32
    %mul3A_49 = arith.constant 640 : i32
    %mul3A_50 = arith.muli %arg1, %mul3A_49 : i32
    %add3A_51 = arith.addi %mul3A_48, %mul3A_50 : i32
    "tpu.region"() ({
      %run_scoped3A = tpu.sem_alloc : memref<!tpu.dma_semaphore, #tpu.memory_space<semaphore_mem>>
      %dma_start3A_52 = arith.constant 0 : i32
      %dma_start3A_53 = tpu.memref_slice %arg5[%add3A_51, %dma_start3A_52] : memref<20480x128xbf16, #tpu.memory_space<hbm>> -> memref<640x128xbf16, #tpu.memory_space<hbm>>
      %dma_start3A_54 = arith.constant 0 : i32
      %dma_start3A_55 = tpu.memref_slice %arg12[%mul3A_46, %dma_start3A_54] : memref<10240x128xbf16, #tpu.memory_space<vmem_shared>> -> memref<640x128xbf16, #tpu.memory_space<vmem_shared>>
      tpu.enqueue_dma source(%dma_start3A_55 : memref<640x128xbf16, #tpu.memory_space<vmem_shared>>) target(%dma_start3A_53 : memref<640x128xbf16, #tpu.memory_space<hbm>>) target_semaphore(%run_scoped3A : memref<!tpu.dma_semaphore, #tpu.memory_space<semaphore_mem>>)
      %dma_wait3A = arith.constant 0 : i32
      %dma_wait3A_56 = tpu.memref_slice %arg5[%add3A_51, %dma_wait3A] : memref<20480x128xbf16, #tpu.memory_space<hbm>> -> memref<640x128xbf16, #tpu.memory_space<hbm>>
      %dma_wait3A_57 = arith.constant 0 : i32
      %dma_wait3A_58 = tpu.memref_slice %arg12[%mul3A_46, %dma_wait3A_57] : memref<10240x128xbf16, #tpu.memory_space<vmem_shared>> -> memref<640x128xbf16, #tpu.memory_space<vmem_shared>>
      tpu.wait_dma2 semaphore(%run_scoped3A : memref<!tpu.dma_semaphore, #tpu.memory_space<semaphore_mem>>) src(%dma_wait3A_58 : memref<640x128xbf16, #tpu.memory_space<vmem_shared>>) dst(%dma_wait3A_56 : memref<640x128xbf16, #tpu.memory_space<hbm>>)
      tpu.yield
    }) : () -> ()
    return
  }
}

#map = affine_map<(d0, d1) -> (0, 0)>
#map1 = affine_map<(d0, d1) -> (0, 0, 0)>
module attributes {stable_mosaic.version = 14 : i64} {
  func.func @_agg_body(%arg0: i32, %arg1: i32, %arg2: memref<20480x128xbf16, #tpu.memory_space<hbm>>, %arg3: memref<32x80x125xi32, #tpu.memory_space<hbm>>, %arg4: memref<640x128xbf16, #tpu.memory_space<hbm>>, %arg5: memref<20480x128xbf16, #tpu.memory_space<hbm>>, %arg6: memref<80x125xi32, #tpu.memory_space<vmem>>, %arg7: memref<80x125xi32, #tpu.memory_space<vmem>>, %arg8: memref<125x128xbf16, #tpu.memory_space<vmem>>, %arg9: memref<125x128xbf16, #tpu.memory_space<vmem>>, %arg10: memref<125x128xbf16, #tpu.memory_space<vmem>>, %arg11: memref<125x128xbf16, #tpu.memory_space<vmem>>, %arg12: memref<10240x128xbf16, #tpu.memory_space<vmem_shared>>, %arg13: memref<!tpu.dma_semaphore, #tpu.memory_space<semaphore_mem>>, %arg14: memref<!tpu.dma_semaphore, #tpu.memory_space<semaphore_mem>>, %arg15: memref<!tpu.dma_semaphore, #tpu.memory_space<semaphore_mem>>, %arg16: memref<!tpu.dma_semaphore, #tpu.memory_space<semaphore_mem>>) attributes {dimension_semantics = [#tpu.dimension_semantics<core_parallel>, #tpu.dimension_semantics<subcore_parallel>], iteration_bounds = array<i64: 2, 16>, scalar_prefetch = 0 : i64, scratch_operands = 11 : i64, tpu.core_type = #tpu.core_type<sc_vector_subcore>, window_params = [{transform_indices = #map}, {transform_indices = #map1}, {transform_indices = #map}, {transform_indices = #map}]} {
    %mul3A = arith.constant 10240 : i32
    %mul3A_0 = arith.muli %arg0, %mul3A : i32
    %mul3A_1 = arith.constant 640 : i32
    %mul3A_2 = arith.muli %arg1, %mul3A_1 : i32
    "tpu.region"() ({
      %run_scoped3A = tpu.sem_alloc : memref<!tpu.dma_semaphore, #tpu.memory_space<semaphore_mem>>
      %dma_start3A_52 = arith.constant 0 : i32
      %dma_start3A_53 = tpu.memref_slice %arg12[%mul3A_2, %dma_start3A_52] : memref<10240x128xbf16, #tpu.memory_space<vmem_shared>> -> memref<640x128xbf16, #tpu.memory_space<vmem_shared>>
      tpu.enqueue_dma source(%arg4 : memref<640x128xbf16, #tpu.memory_space<hbm>>) target(%dma_start3A_53 : memref<640x128xbf16, #tpu.memory_space<vmem_shared>>) target_semaphore(%run_scoped3A : memref<!tpu.dma_semaphore, #tpu.memory_space<semaphore_mem>>)
      %dma_wait3A = arith.constant 0 : i32
      %dma_wait3A_54 = tpu.memref_slice %arg12[%mul3A_2, %dma_wait3A] : memref<10240x128xbf16, #tpu.memory_space<vmem_shared>> -> memref<640x128xbf16, #tpu.memory_space<vmem_shared>>
      tpu.wait_dma2 semaphore(%run_scoped3A : memref<!tpu.dma_semaphore, #tpu.memory_space<semaphore_mem>>) src(%arg4 : memref<640x128xbf16, #tpu.memory_space<hbm>>) dst(%dma_wait3A_54 : memref<640x128xbf16, #tpu.memory_space<vmem_shared>>)
      tpu.yield
    }) : () -> ()
    %add3A = arith.constant 16 : i32
    %add3A_3 = arith.addi %add3A, %arg1 : i32
    "tpu.region"() ({
      %run_scoped3A = tpu.sem_alloc : memref<!tpu.dma_semaphore, #tpu.memory_space<semaphore_mem>>
      %dma_start3A_52 = arith.constant 0 : i32
      %dma_start3A_53 = arith.constant 0 : i32
      %dma_start3A_54 = tpu.memref_slice %arg3[%add3A_3, %dma_start3A_52, %dma_start3A_53] : memref<32x80x125xi32, #tpu.memory_space<hbm>> -> memref<1x80x125xi32, #tpu.memory_space<hbm>>
      %dma_start3A_55 = tpu.memref_squeeze %dma_start3A_54 : memref<1x80x125xi32, #tpu.memory_space<hbm>> -> memref<80x125xi32, #tpu.memory_space<hbm>>
      %dma_start3A_56 = arith.constant 0 : i32
      %dma_start3A_57 = arith.constant 0 : i32
      %dma_start3A_58 = tpu.memref_slice %arg3[%add3A_3, %dma_start3A_56, %dma_start3A_57] : memref<32x80x125xi32, #tpu.memory_space<hbm>> -> memref<1x80x125xi32, #tpu.memory_space<hbm>>
      %dma_start3A_59 = tpu.memref_squeeze %dma_start3A_58 : memref<1x80x125xi32, #tpu.memory_space<hbm>> -> memref<80x125xi32, #tpu.memory_space<hbm>>
      tpu.enqueue_dma source(%dma_start3A_59 : memref<80x125xi32, #tpu.memory_space<hbm>>) target(%arg7 : memref<80x125xi32, #tpu.memory_space<vmem>>) target_semaphore(%run_scoped3A : memref<!tpu.dma_semaphore, #tpu.memory_space<semaphore_mem>>)
      %dma_wait3A = arith.constant 0 : i32
      %dma_wait3A_60 = arith.constant 0 : i32
      %dma_wait3A_61 = tpu.memref_slice %arg3[%add3A_3, %dma_wait3A, %dma_wait3A_60] : memref<32x80x125xi32, #tpu.memory_space<hbm>> -> memref<1x80x125xi32, #tpu.memory_space<hbm>>
      %dma_wait3A_62 = tpu.memref_squeeze %dma_wait3A_61 : memref<1x80x125xi32, #tpu.memory_space<hbm>> -> memref<80x125xi32, #tpu.memory_space<hbm>>
      %dma_wait3A_63 = arith.constant 0 : i32
      %dma_wait3A_64 = arith.constant 0 : i32
      %dma_wait3A_65 = tpu.memref_slice %arg3[%add3A_3, %dma_wait3A_63, %dma_wait3A_64] : memref<32x80x125xi32, #tpu.memory_space<hbm>> -> memref<1x80x125xi32, #tpu.memory_space<hbm>>
      %dma_wait3A_66 = tpu.memref_squeeze %dma_wait3A_65 : memref<1x80x125xi32, #tpu.memory_space<hbm>> -> memref<80x125xi32, #tpu.memory_space<hbm>>
      tpu.wait_dma2 semaphore(%run_scoped3A : memref<!tpu.dma_semaphore, #tpu.memory_space<semaphore_mem>>) src(%dma_wait3A_66 : memref<80x125xi32, #tpu.memory_space<hbm>>) dst(%arg7 : memref<80x125xi32, #tpu.memory_space<vmem>>)
      tpu.yield
    }) : () -> ()
    "tpu.region"() ({
      %run_scoped3A = tpu.sem_alloc : memref<!tpu.dma_semaphore, #tpu.memory_space<semaphore_mem>>
      %dma_start3A_52 = arith.constant 0 : i32
      %dma_start3A_53 = arith.constant 0 : i32
      %dma_start3A_54 = tpu.memref_slice %arg3[%arg1, %dma_start3A_52, %dma_start3A_53] : memref<32x80x125xi32, #tpu.memory_space<hbm>> -> memref<1x80x125xi32, #tpu.memory_space<hbm>>
      %dma_start3A_55 = tpu.memref_squeeze %dma_start3A_54 : memref<1x80x125xi32, #tpu.memory_space<hbm>> -> memref<80x125xi32, #tpu.memory_space<hbm>>
      %dma_start3A_56 = arith.constant 0 : i32
      %dma_start3A_57 = arith.constant 0 : i32
      %dma_start3A_58 = tpu.memref_slice %arg3[%arg1, %dma_start3A_56, %dma_start3A_57] : memref<32x80x125xi32, #tpu.memory_space<hbm>> -> memref<1x80x125xi32, #tpu.memory_space<hbm>>
      %dma_start3A_59 = tpu.memref_squeeze %dma_start3A_58 : memref<1x80x125xi32, #tpu.memory_space<hbm>> -> memref<80x125xi32, #tpu.memory_space<hbm>>
      tpu.enqueue_dma source(%dma_start3A_59 : memref<80x125xi32, #tpu.memory_space<hbm>>) target(%arg6 : memref<80x125xi32, #tpu.memory_space<vmem>>) target_semaphore(%run_scoped3A : memref<!tpu.dma_semaphore, #tpu.memory_space<semaphore_mem>>)
      %dma_wait3A = arith.constant 0 : i32
      %dma_wait3A_60 = arith.constant 0 : i32
      %dma_wait3A_61 = tpu.memref_slice %arg3[%arg1, %dma_wait3A, %dma_wait3A_60] : memref<32x80x125xi32, #tpu.memory_space<hbm>> -> memref<1x80x125xi32, #tpu.memory_space<hbm>>
      %dma_wait3A_62 = tpu.memref_squeeze %dma_wait3A_61 : memref<1x80x125xi32, #tpu.memory_space<hbm>> -> memref<80x125xi32, #tpu.memory_space<hbm>>
      %dma_wait3A_63 = arith.constant 0 : i32
      %dma_wait3A_64 = arith.constant 0 : i32
      %dma_wait3A_65 = tpu.memref_slice %arg3[%arg1, %dma_wait3A_63, %dma_wait3A_64] : memref<32x80x125xi32, #tpu.memory_space<hbm>> -> memref<1x80x125xi32, #tpu.memory_space<hbm>>
      %dma_wait3A_66 = tpu.memref_squeeze %dma_wait3A_65 : memref<1x80x125xi32, #tpu.memory_space<hbm>> -> memref<80x125xi32, #tpu.memory_space<hbm>>
      tpu.wait_dma2 semaphore(%run_scoped3A : memref<!tpu.dma_semaphore, #tpu.memory_space<semaphore_mem>>) src(%dma_wait3A_66 : memref<80x125xi32, #tpu.memory_space<hbm>>) dst(%arg6 : memref<80x125xi32, #tpu.memory_space<vmem>>)
      tpu.yield
    }) : () -> ()
    %barrier3A = arith.constant 0 : index
    tpu.barrier barrier_id(%barrier3A)
    %dma_start3A = arith.constant 0 : i32
    %dma_start3A_4 = arith.constant 0 : i32
    %dma_start3A_5 = tpu.memref_slice %arg6[%dma_start3A, %dma_start3A_4] : memref<80x125xi32, #tpu.memory_space<vmem>> -> memref<1x125xi32, #tpu.memory_space<vmem>>
    %dma_start3A_6 = tpu.memref_squeeze %dma_start3A_5 : memref<1x125xi32, #tpu.memory_space<vmem>> -> memref<125xi32, #tpu.memory_space<vmem>>
    %dma_start3A_7 = arith.constant 0 : i32
    %dma_start3A_8 = tpu.memref_slice %arg2[%mul3A_0, %dma_start3A_7] : memref<20480x128xbf16, #tpu.memory_space<hbm>> -> memref<10240x128xbf16, #tpu.memory_space<hbm>>
    %dma_start3A_9 = arith.constant 0 : i32
    %dma_start3A_10 = arith.constant 0 : i32
    %dma_start3A_11 = tpu.memref_slice %dma_start3A_8[%dma_start3A_9, %dma_start3A_10] : memref<10240x128xbf16, #tpu.memory_space<hbm>> -> memref<10240x128xbf16, #tpu.memory_space<hbm>>
    tpu.enqueue_indirect_dma source(%dma_start3A_11 : memref<10240x128xbf16, #tpu.memory_space<hbm>>) target(%arg8 : memref<125x128xbf16, #tpu.memory_space<vmem>>) offsets(%dma_start3A_6 : memref<125xi32, #tpu.memory_space<vmem>>) semaphore(%arg13 : memref<!tpu.dma_semaphore, #tpu.memory_space<semaphore_mem>>)
    %dma_start3A_12 = arith.constant 1 : i32
    %dma_start3A_13 = arith.constant 0 : i32
    %dma_start3A_14 = tpu.memref_slice %arg6[%dma_start3A_12, %dma_start3A_13] : memref<80x125xi32, #tpu.memory_space<vmem>> -> memref<1x125xi32, #tpu.memory_space<vmem>>
    %dma_start3A_15 = tpu.memref_squeeze %dma_start3A_14 : memref<1x125xi32, #tpu.memory_space<vmem>> -> memref<125xi32, #tpu.memory_space<vmem>>
    %dma_start3A_16 = arith.constant 0 : i32
    %dma_start3A_17 = tpu.memref_slice %arg2[%mul3A_0, %dma_start3A_16] : memref<20480x128xbf16, #tpu.memory_space<hbm>> -> memref<10240x128xbf16, #tpu.memory_space<hbm>>
    %dma_start3A_18 = arith.constant 0 : i32
    %dma_start3A_19 = arith.constant 0 : i32
    %dma_start3A_20 = tpu.memref_slice %dma_start3A_17[%dma_start3A_18, %dma_start3A_19] : memref<10240x128xbf16, #tpu.memory_space<hbm>> -> memref<10240x128xbf16, #tpu.memory_space<hbm>>
    tpu.enqueue_indirect_dma source(%dma_start3A_20 : memref<10240x128xbf16, #tpu.memory_space<hbm>>) target(%arg9 : memref<125x128xbf16, #tpu.memory_space<vmem>>) offsets(%dma_start3A_15 : memref<125xi32, #tpu.memory_space<vmem>>) semaphore(%arg14 : memref<!tpu.dma_semaphore, #tpu.memory_space<semaphore_mem>>)
    %dma_start3A_21 = arith.constant 2 : i32
    %dma_start3A_22 = arith.constant 0 : i32
    %dma_start3A_23 = tpu.memref_slice %arg6[%dma_start3A_21, %dma_start3A_22] : memref<80x125xi32, #tpu.memory_space<vmem>> -> memref<1x125xi32, #tpu.memory_space<vmem>>
    %dma_start3A_24 = tpu.memref_squeeze %dma_start3A_23 : memref<1x125xi32, #tpu.memory_space<vmem>> -> memref<125xi32, #tpu.memory_space<vmem>>
    %dma_start3A_25 = arith.constant 0 : i32
    %dma_start3A_26 = tpu.memref_slice %arg2[%mul3A_0, %dma_start3A_25] : memref<20480x128xbf16, #tpu.memory_space<hbm>> -> memref<10240x128xbf16, #tpu.memory_space<hbm>>
    %dma_start3A_27 = arith.constant 0 : i32
    %dma_start3A_28 = arith.constant 0 : i32
    %dma_start3A_29 = tpu.memref_slice %dma_start3A_26[%dma_start3A_27, %dma_start3A_28] : memref<10240x128xbf16, #tpu.memory_space<hbm>> -> memref<10240x128xbf16, #tpu.memory_space<hbm>>
    tpu.enqueue_indirect_dma source(%dma_start3A_29 : memref<10240x128xbf16, #tpu.memory_space<hbm>>) target(%arg10 : memref<125x128xbf16, #tpu.memory_space<vmem>>) offsets(%dma_start3A_24 : memref<125xi32, #tpu.memory_space<vmem>>) semaphore(%arg15 : memref<!tpu.dma_semaphore, #tpu.memory_space<semaphore_mem>>)
    %dma_start3A_30 = arith.constant 3 : i32
    %dma_start3A_31 = arith.constant 0 : i32
    %dma_start3A_32 = tpu.memref_slice %arg6[%dma_start3A_30, %dma_start3A_31] : memref<80x125xi32, #tpu.memory_space<vmem>> -> memref<1x125xi32, #tpu.memory_space<vmem>>
    %dma_start3A_33 = tpu.memref_squeeze %dma_start3A_32 : memref<1x125xi32, #tpu.memory_space<vmem>> -> memref<125xi32, #tpu.memory_space<vmem>>
    %dma_start3A_34 = arith.constant 0 : i32
    %dma_start3A_35 = tpu.memref_slice %arg2[%mul3A_0, %dma_start3A_34] : memref<20480x128xbf16, #tpu.memory_space<hbm>> -> memref<10240x128xbf16, #tpu.memory_space<hbm>>
    %dma_start3A_36 = arith.constant 0 : i32
    %dma_start3A_37 = arith.constant 0 : i32
    %dma_start3A_38 = tpu.memref_slice %dma_start3A_35[%dma_start3A_36, %dma_start3A_37] : memref<10240x128xbf16, #tpu.memory_space<hbm>> -> memref<10240x128xbf16, #tpu.memory_space<hbm>>
    tpu.enqueue_indirect_dma source(%dma_start3A_38 : memref<10240x128xbf16, #tpu.memory_space<hbm>>) target(%arg11 : memref<125x128xbf16, #tpu.memory_space<vmem>>) offsets(%dma_start3A_33 : memref<125xi32, #tpu.memory_space<vmem>>) semaphore(%arg16 : memref<!tpu.dma_semaphore, #tpu.memory_space<semaphore_mem>>)
    %scan3A = arith.constant 0 : i32
    %scan3A_39 = arith.constant 0 : i32
    %scan3A_40 = arith.constant 20 : i32
    %scan3A_41 = arith.addi %scan3A_39, %scan3A_40 : i32
    %scan3A_42 = arith.constant 1 : i32
    scf.for %scan3A_52 = %scan3A_39 to %scan3A_41 step %scan3A_42  : i32 {
      %mul3A_53 = arith.constant 4 : i32
      %mul3A_54 = arith.muli %scan3A_52, %mul3A_53 : i32
      %add3A_55 = arith.constant 0 : i32
      %add3A_56 = arith.addi %mul3A_54, %add3A_55 : i32
      %dma_wait3A = arith.constant 0 : i32
      %dma_wait3A_57 = tpu.memref_slice %arg6[%add3A_56, %dma_wait3A] : memref<80x125xi32, #tpu.memory_space<vmem>> -> memref<1x125xi32, #tpu.memory_space<vmem>>
      %dma_wait3A_58 = tpu.memref_squeeze %dma_wait3A_57 : memref<1x125xi32, #tpu.memory_space<vmem>> -> memref<125xi32, #tpu.memory_space<vmem>>
      %dma_wait3A_59 = arith.constant 0 : i32
      %dma_wait3A_60 = tpu.memref_slice %arg2[%mul3A_0, %dma_wait3A_59] : memref<20480x128xbf16, #tpu.memory_space<hbm>> -> memref<10240x128xbf16, #tpu.memory_space<hbm>>
      %dma_wait3A_61 = arith.constant 0 : i32
      %dma_wait3A_62 = arith.constant 0 : i32
      %dma_wait3A_63 = tpu.memref_slice %dma_wait3A_60[%dma_wait3A_61, %dma_wait3A_62] : memref<10240x128xbf16, #tpu.memory_space<hbm>> -> memref<10240x128xbf16, #tpu.memory_space<hbm>>
      tpu.wait_indirect_dma semaphore(%arg13 : memref<!tpu.dma_semaphore, #tpu.memory_space<semaphore_mem>>) src(%dma_wait3A_63 : memref<10240x128xbf16, #tpu.memory_space<hbm>>) dst(%arg8 : memref<125x128xbf16, #tpu.memory_space<vmem>>)
      "tpu.region"() ({
        %run_scoped3A = tpu.sem_alloc : memref<!tpu.dma_semaphore, #tpu.memory_space<semaphore_mem>>
        %dma_start3A_119 = arith.constant 0 : i32
        %dma_start3A_120 = tpu.memref_slice %arg7[%add3A_56, %dma_start3A_119] : memref<80x125xi32, #tpu.memory_space<vmem>> -> memref<1x125xi32, #tpu.memory_space<vmem>>
        %dma_start3A_121 = tpu.memref_squeeze %dma_start3A_120 : memref<1x125xi32, #tpu.memory_space<vmem>> -> memref<125xi32, #tpu.memory_space<vmem>>
        %dma_start3A_122 = arith.constant 0 : i32
        %dma_start3A_123 = arith.constant 0 : i32
        %dma_start3A_124 = tpu.memref_slice %arg12[%dma_start3A_122, %dma_start3A_123] : memref<10240x128xbf16, #tpu.memory_space<vmem_shared>> -> memref<10240x128xbf16, #tpu.memory_space<vmem_shared>>
        tpu.enqueue_indirect_dma source(%arg8 : memref<125x128xbf16, #tpu.memory_space<vmem>>) target(%dma_start3A_124 : memref<10240x128xbf16, #tpu.memory_space<vmem_shared>>) offsets(%dma_start3A_121 : memref<125xi32, #tpu.memory_space<vmem>>) semaphore(%run_scoped3A : memref<!tpu.dma_semaphore, #tpu.memory_space<semaphore_mem>>) {add = true}
        %dma_wait3A_125 = arith.constant 0 : i32
        %dma_wait3A_126 = tpu.memref_slice %arg7[%add3A_56, %dma_wait3A_125] : memref<80x125xi32, #tpu.memory_space<vmem>> -> memref<1x125xi32, #tpu.memory_space<vmem>>
        %dma_wait3A_127 = tpu.memref_squeeze %dma_wait3A_126 : memref<1x125xi32, #tpu.memory_space<vmem>> -> memref<125xi32, #tpu.memory_space<vmem>>
        %dma_wait3A_128 = arith.constant 0 : i32
        %dma_wait3A_129 = arith.constant 0 : i32
        %dma_wait3A_130 = tpu.memref_slice %arg12[%dma_wait3A_128, %dma_wait3A_129] : memref<10240x128xbf16, #tpu.memory_space<vmem_shared>> -> memref<10240x128xbf16, #tpu.memory_space<vmem_shared>>
        tpu.wait_indirect_dma semaphore(%run_scoped3A : memref<!tpu.dma_semaphore, #tpu.memory_space<semaphore_mem>>) src(%arg8 : memref<125x128xbf16, #tpu.memory_space<vmem>>) dst(%dma_wait3A_130 : memref<10240x128xbf16, #tpu.memory_space<vmem_shared>>)
        tpu.yield
      }) : () -> ()
      %add3A_64 = arith.constant 4 : i32
      %add3A_65 = arith.addi %add3A_56, %add3A_64 : i32
      %lt3A = arith.constant 80 : i32
      %lt3A_66 = arith.cmpi slt, %add3A_65, %lt3A : i32
      %convert_element_type3A = arith.extui %lt3A_66 : i1 to i32
      %cond3A = arith.constant 0 : i32
      %cond3A_67 = arith.cmpi ne, %convert_element_type3A, %cond3A : i32
      scf.if %cond3A_67 {
        %add3A_119 = arith.constant 4 : i32
        %add3A_120 = arith.addi %add3A_56, %add3A_119 : i32
        %dma_start3A_121 = arith.constant 0 : i32
        %dma_start3A_122 = tpu.memref_slice %arg6[%add3A_120, %dma_start3A_121] : memref<80x125xi32, #tpu.memory_space<vmem>> -> memref<1x125xi32, #tpu.memory_space<vmem>>
        %dma_start3A_123 = tpu.memref_squeeze %dma_start3A_122 : memref<1x125xi32, #tpu.memory_space<vmem>> -> memref<125xi32, #tpu.memory_space<vmem>>
        %dma_start3A_124 = arith.constant 0 : i32
        %dma_start3A_125 = tpu.memref_slice %arg2[%mul3A_0, %dma_start3A_124] : memref<20480x128xbf16, #tpu.memory_space<hbm>> -> memref<10240x128xbf16, #tpu.memory_space<hbm>>
        %dma_start3A_126 = arith.constant 0 : i32
        %dma_start3A_127 = arith.constant 0 : i32
        %dma_start3A_128 = tpu.memref_slice %dma_start3A_125[%dma_start3A_126, %dma_start3A_127] : memref<10240x128xbf16, #tpu.memory_space<hbm>> -> memref<10240x128xbf16, #tpu.memory_space<hbm>>
        tpu.enqueue_indirect_dma source(%dma_start3A_128 : memref<10240x128xbf16, #tpu.memory_space<hbm>>) target(%arg8 : memref<125x128xbf16, #tpu.memory_space<vmem>>) offsets(%dma_start3A_123 : memref<125xi32, #tpu.memory_space<vmem>>) semaphore(%arg13 : memref<!tpu.dma_semaphore, #tpu.memory_space<semaphore_mem>>)
      } else {
      }
      %add3A_68 = arith.constant 1 : i32
      %add3A_69 = arith.addi %mul3A_54, %add3A_68 : i32
      %dma_wait3A_70 = arith.constant 0 : i32
      %dma_wait3A_71 = tpu.memref_slice %arg6[%add3A_69, %dma_wait3A_70] : memref<80x125xi32, #tpu.memory_space<vmem>> -> memref<1x125xi32, #tpu.memory_space<vmem>>
      %dma_wait3A_72 = tpu.memref_squeeze %dma_wait3A_71 : memref<1x125xi32, #tpu.memory_space<vmem>> -> memref<125xi32, #tpu.memory_space<vmem>>
      %dma_wait3A_73 = arith.constant 0 : i32
      %dma_wait3A_74 = tpu.memref_slice %arg2[%mul3A_0, %dma_wait3A_73] : memref<20480x128xbf16, #tpu.memory_space<hbm>> -> memref<10240x128xbf16, #tpu.memory_space<hbm>>
      %dma_wait3A_75 = arith.constant 0 : i32
      %dma_wait3A_76 = arith.constant 0 : i32
      %dma_wait3A_77 = tpu.memref_slice %dma_wait3A_74[%dma_wait3A_75, %dma_wait3A_76] : memref<10240x128xbf16, #tpu.memory_space<hbm>> -> memref<10240x128xbf16, #tpu.memory_space<hbm>>
      tpu.wait_indirect_dma semaphore(%arg14 : memref<!tpu.dma_semaphore, #tpu.memory_space<semaphore_mem>>) src(%dma_wait3A_77 : memref<10240x128xbf16, #tpu.memory_space<hbm>>) dst(%arg9 : memref<125x128xbf16, #tpu.memory_space<vmem>>)
      "tpu.region"() ({
        %run_scoped3A = tpu.sem_alloc : memref<!tpu.dma_semaphore, #tpu.memory_space<semaphore_mem>>
        %dma_start3A_119 = arith.constant 0 : i32
        %dma_start3A_120 = tpu.memref_slice %arg7[%add3A_69, %dma_start3A_119] : memref<80x125xi32, #tpu.memory_space<vmem>> -> memref<1x125xi32, #tpu.memory_space<vmem>>
        %dma_start3A_121 = tpu.memref_squeeze %dma_start3A_120 : memref<1x125xi32, #tpu.memory_space<vmem>> -> memref<125xi32, #tpu.memory_space<vmem>>
        %dma_start3A_122 = arith.constant 0 : i32
        %dma_start3A_123 = arith.constant 0 : i32
        %dma_start3A_124 = tpu.memref_slice %arg12[%dma_start3A_122, %dma_start3A_123] : memref<10240x128xbf16, #tpu.memory_space<vmem_shared>> -> memref<10240x128xbf16, #tpu.memory_space<vmem_shared>>
        tpu.enqueue_indirect_dma source(%arg9 : memref<125x128xbf16, #tpu.memory_space<vmem>>) target(%dma_start3A_124 : memref<10240x128xbf16, #tpu.memory_space<vmem_shared>>) offsets(%dma_start3A_121 : memref<125xi32, #tpu.memory_space<vmem>>) semaphore(%run_scoped3A : memref<!tpu.dma_semaphore, #tpu.memory_space<semaphore_mem>>) {add = true}
        %dma_wait3A_125 = arith.constant 0 : i32
        %dma_wait3A_126 = tpu.memref_slice %arg7[%add3A_69, %dma_wait3A_125] : memref<80x125xi32, #tpu.memory_space<vmem>> -> memref<1x125xi32, #tpu.memory_space<vmem>>
        %dma_wait3A_127 = tpu.memref_squeeze %dma_wait3A_126 : memref<1x125xi32, #tpu.memory_space<vmem>> -> memref<125xi32, #tpu.memory_space<vmem>>
        %dma_wait3A_128 = arith.constant 0 : i32
        %dma_wait3A_129 = arith.constant 0 : i32
        %dma_wait3A_130 = tpu.memref_slice %arg12[%dma_wait3A_128, %dma_wait3A_129] : memref<10240x128xbf16, #tpu.memory_space<vmem_shared>> -> memref<10240x128xbf16, #tpu.memory_space<vmem_shared>>
        tpu.wait_indirect_dma semaphore(%run_scoped3A : memref<!tpu.dma_semaphore, #tpu.memory_space<semaphore_mem>>) src(%arg9 : memref<125x128xbf16, #tpu.memory_space<vmem>>) dst(%dma_wait3A_130 : memref<10240x128xbf16, #tpu.memory_space<vmem_shared>>)
        tpu.yield
      }) : () -> ()
      %add3A_78 = arith.constant 4 : i32
      %add3A_79 = arith.addi %add3A_69, %add3A_78 : i32
      %lt3A_80 = arith.constant 80 : i32
      %lt3A_81 = arith.cmpi slt, %add3A_79, %lt3A_80 : i32
      %convert_element_type3A_82 = arith.extui %lt3A_81 : i1 to i32
      %cond3A_83 = arith.constant 0 : i32
      %cond3A_84 = arith.cmpi ne, %convert_element_type3A_82, %cond3A_83 : i32
      scf.if %cond3A_84 {
        %add3A_119 = arith.constant 4 : i32
        %add3A_120 = arith.addi %add3A_69, %add3A_119 : i32
        %dma_start3A_121 = arith.constant 0 : i32
        %dma_start3A_122 = tpu.memref_slice %arg6[%add3A_120, %dma_start3A_121] : memref<80x125xi32, #tpu.memory_space<vmem>> -> memref<1x125xi32, #tpu.memory_space<vmem>>
        %dma_start3A_123 = tpu.memref_squeeze %dma_start3A_122 : memref<1x125xi32, #tpu.memory_space<vmem>> -> memref<125xi32, #tpu.memory_space<vmem>>
        %dma_start3A_124 = arith.constant 0 : i32
        %dma_start3A_125 = tpu.memref_slice %arg2[%mul3A_0, %dma_start3A_124] : memref<20480x128xbf16, #tpu.memory_space<hbm>> -> memref<10240x128xbf16, #tpu.memory_space<hbm>>
        %dma_start3A_126 = arith.constant 0 : i32
        %dma_start3A_127 = arith.constant 0 : i32
        %dma_start3A_128 = tpu.memref_slice %dma_start3A_125[%dma_start3A_126, %dma_start3A_127] : memref<10240x128xbf16, #tpu.memory_space<hbm>> -> memref<10240x128xbf16, #tpu.memory_space<hbm>>
        tpu.enqueue_indirect_dma source(%dma_start3A_128 : memref<10240x128xbf16, #tpu.memory_space<hbm>>) target(%arg9 : memref<125x128xbf16, #tpu.memory_space<vmem>>) offsets(%dma_start3A_123 : memref<125xi32, #tpu.memory_space<vmem>>) semaphore(%arg14 : memref<!tpu.dma_semaphore, #tpu.memory_space<semaphore_mem>>)
      } else {
      }
      %add3A_85 = arith.constant 2 : i32
      %add3A_86 = arith.addi %mul3A_54, %add3A_85 : i32
      %dma_wait3A_87 = arith.constant 0 : i32
      %dma_wait3A_88 = tpu.memref_slice %arg6[%add3A_86, %dma_wait3A_87] : memref<80x125xi32, #tpu.memory_space<vmem>> -> memref<1x125xi32, #tpu.memory_space<vmem>>
      %dma_wait3A_89 = tpu.memref_squeeze %dma_wait3A_88 : memref<1x125xi32, #tpu.memory_space<vmem>> -> memref<125xi32, #tpu.memory_space<vmem>>
      %dma_wait3A_90 = arith.constant 0 : i32
      %dma_wait3A_91 = tpu.memref_slice %arg2[%mul3A_0, %dma_wait3A_90] : memref<20480x128xbf16, #tpu.memory_space<hbm>> -> memref<10240x128xbf16, #tpu.memory_space<hbm>>
      %dma_wait3A_92 = arith.constant 0 : i32
      %dma_wait3A_93 = arith.constant 0 : i32
      %dma_wait3A_94 = tpu.memref_slice %dma_wait3A_91[%dma_wait3A_92, %dma_wait3A_93] : memref<10240x128xbf16, #tpu.memory_space<hbm>> -> memref<10240x128xbf16, #tpu.memory_space<hbm>>
      tpu.wait_indirect_dma semaphore(%arg15 : memref<!tpu.dma_semaphore, #tpu.memory_space<semaphore_mem>>) src(%dma_wait3A_94 : memref<10240x128xbf16, #tpu.memory_space<hbm>>) dst(%arg10 : memref<125x128xbf16, #tpu.memory_space<vmem>>)
      "tpu.region"() ({
        %run_scoped3A = tpu.sem_alloc : memref<!tpu.dma_semaphore, #tpu.memory_space<semaphore_mem>>
        %dma_start3A_119 = arith.constant 0 : i32
        %dma_start3A_120 = tpu.memref_slice %arg7[%add3A_86, %dma_start3A_119] : memref<80x125xi32, #tpu.memory_space<vmem>> -> memref<1x125xi32, #tpu.memory_space<vmem>>
        %dma_start3A_121 = tpu.memref_squeeze %dma_start3A_120 : memref<1x125xi32, #tpu.memory_space<vmem>> -> memref<125xi32, #tpu.memory_space<vmem>>
        %dma_start3A_122 = arith.constant 0 : i32
        %dma_start3A_123 = arith.constant 0 : i32
        %dma_start3A_124 = tpu.memref_slice %arg12[%dma_start3A_122, %dma_start3A_123] : memref<10240x128xbf16, #tpu.memory_space<vmem_shared>> -> memref<10240x128xbf16, #tpu.memory_space<vmem_shared>>
        tpu.enqueue_indirect_dma source(%arg10 : memref<125x128xbf16, #tpu.memory_space<vmem>>) target(%dma_start3A_124 : memref<10240x128xbf16, #tpu.memory_space<vmem_shared>>) offsets(%dma_start3A_121 : memref<125xi32, #tpu.memory_space<vmem>>) semaphore(%run_scoped3A : memref<!tpu.dma_semaphore, #tpu.memory_space<semaphore_mem>>) {add = true}
        %dma_wait3A_125 = arith.constant 0 : i32
        %dma_wait3A_126 = tpu.memref_slice %arg7[%add3A_86, %dma_wait3A_125] : memref<80x125xi32, #tpu.memory_space<vmem>> -> memref<1x125xi32, #tpu.memory_space<vmem>>
        %dma_wait3A_127 = tpu.memref_squeeze %dma_wait3A_126 : memref<1x125xi32, #tpu.memory_space<vmem>> -> memref<125xi32, #tpu.memory_space<vmem>>
        %dma_wait3A_128 = arith.constant 0 : i32
        %dma_wait3A_129 = arith.constant 0 : i32
        %dma_wait3A_130 = tpu.memref_slice %arg12[%dma_wait3A_128, %dma_wait3A_129] : memref<10240x128xbf16, #tpu.memory_space<vmem_shared>> -> memref<10240x128xbf16, #tpu.memory_space<vmem_shared>>
        tpu.wait_indirect_dma semaphore(%run_scoped3A : memref<!tpu.dma_semaphore, #tpu.memory_space<semaphore_mem>>) src(%arg10 : memref<125x128xbf16, #tpu.memory_space<vmem>>) dst(%dma_wait3A_130 : memref<10240x128xbf16, #tpu.memory_space<vmem_shared>>)
        tpu.yield
      }) : () -> ()
      %add3A_95 = arith.constant 4 : i32
      %add3A_96 = arith.addi %add3A_86, %add3A_95 : i32
      %lt3A_97 = arith.constant 80 : i32
      %lt3A_98 = arith.cmpi slt, %add3A_96, %lt3A_97 : i32
      %convert_element_type3A_99 = arith.extui %lt3A_98 : i1 to i32
      %cond3A_100 = arith.constant 0 : i32
      %cond3A_101 = arith.cmpi ne, %convert_element_type3A_99, %cond3A_100 : i32
      scf.if %cond3A_101 {
        %add3A_119 = arith.constant 4 : i32
        %add3A_120 = arith.addi %add3A_86, %add3A_119 : i32
        %dma_start3A_121 = arith.constant 0 : i32
        %dma_start3A_122 = tpu.memref_slice %arg6[%add3A_120, %dma_start3A_121] : memref<80x125xi32, #tpu.memory_space<vmem>> -> memref<1x125xi32, #tpu.memory_space<vmem>>
        %dma_start3A_123 = tpu.memref_squeeze %dma_start3A_122 : memref<1x125xi32, #tpu.memory_space<vmem>> -> memref<125xi32, #tpu.memory_space<vmem>>
        %dma_start3A_124 = arith.constant 0 : i32
        %dma_start3A_125 = tpu.memref_slice %arg2[%mul3A_0, %dma_start3A_124] : memref<20480x128xbf16, #tpu.memory_space<hbm>> -> memref<10240x128xbf16, #tpu.memory_space<hbm>>
        %dma_start3A_126 = arith.constant 0 : i32
        %dma_start3A_127 = arith.constant 0 : i32
        %dma_start3A_128 = tpu.memref_slice %dma_start3A_125[%dma_start3A_126, %dma_start3A_127] : memref<10240x128xbf16, #tpu.memory_space<hbm>> -> memref<10240x128xbf16, #tpu.memory_space<hbm>>
        tpu.enqueue_indirect_dma source(%dma_start3A_128 : memref<10240x128xbf16, #tpu.memory_space<hbm>>) target(%arg10 : memref<125x128xbf16, #tpu.memory_space<vmem>>) offsets(%dma_start3A_123 : memref<125xi32, #tpu.memory_space<vmem>>) semaphore(%arg15 : memref<!tpu.dma_semaphore, #tpu.memory_space<semaphore_mem>>)
      } else {
      }
      %add3A_102 = arith.constant 3 : i32
      %add3A_103 = arith.addi %mul3A_54, %add3A_102 : i32
      %dma_wait3A_104 = arith.constant 0 : i32
      %dma_wait3A_105 = tpu.memref_slice %arg6[%add3A_103, %dma_wait3A_104] : memref<80x125xi32, #tpu.memory_space<vmem>> -> memref<1x125xi32, #tpu.memory_space<vmem>>
      %dma_wait3A_106 = tpu.memref_squeeze %dma_wait3A_105 : memref<1x125xi32, #tpu.memory_space<vmem>> -> memref<125xi32, #tpu.memory_space<vmem>>
      %dma_wait3A_107 = arith.constant 0 : i32
      %dma_wait3A_108 = tpu.memref_slice %arg2[%mul3A_0, %dma_wait3A_107] : memref<20480x128xbf16, #tpu.memory_space<hbm>> -> memref<10240x128xbf16, #tpu.memory_space<hbm>>
      %dma_wait3A_109 = arith.constant 0 : i32
      %dma_wait3A_110 = arith.constant 0 : i32
      %dma_wait3A_111 = tpu.memref_slice %dma_wait3A_108[%dma_wait3A_109, %dma_wait3A_110] : memref<10240x128xbf16, #tpu.memory_space<hbm>> -> memref<10240x128xbf16, #tpu.memory_space<hbm>>
      tpu.wait_indirect_dma semaphore(%arg16 : memref<!tpu.dma_semaphore, #tpu.memory_space<semaphore_mem>>) src(%dma_wait3A_111 : memref<10240x128xbf16, #tpu.memory_space<hbm>>) dst(%arg11 : memref<125x128xbf16, #tpu.memory_space<vmem>>)
      "tpu.region"() ({
        %run_scoped3A = tpu.sem_alloc : memref<!tpu.dma_semaphore, #tpu.memory_space<semaphore_mem>>
        %dma_start3A_119 = arith.constant 0 : i32
        %dma_start3A_120 = tpu.memref_slice %arg7[%add3A_103, %dma_start3A_119] : memref<80x125xi32, #tpu.memory_space<vmem>> -> memref<1x125xi32, #tpu.memory_space<vmem>>
        %dma_start3A_121 = tpu.memref_squeeze %dma_start3A_120 : memref<1x125xi32, #tpu.memory_space<vmem>> -> memref<125xi32, #tpu.memory_space<vmem>>
        %dma_start3A_122 = arith.constant 0 : i32
        %dma_start3A_123 = arith.constant 0 : i32
        %dma_start3A_124 = tpu.memref_slice %arg12[%dma_start3A_122, %dma_start3A_123] : memref<10240x128xbf16, #tpu.memory_space<vmem_shared>> -> memref<10240x128xbf16, #tpu.memory_space<vmem_shared>>
        tpu.enqueue_indirect_dma source(%arg11 : memref<125x128xbf16, #tpu.memory_space<vmem>>) target(%dma_start3A_124 : memref<10240x128xbf16, #tpu.memory_space<vmem_shared>>) offsets(%dma_start3A_121 : memref<125xi32, #tpu.memory_space<vmem>>) semaphore(%run_scoped3A : memref<!tpu.dma_semaphore, #tpu.memory_space<semaphore_mem>>) {add = true}
        %dma_wait3A_125 = arith.constant 0 : i32
        %dma_wait3A_126 = tpu.memref_slice %arg7[%add3A_103, %dma_wait3A_125] : memref<80x125xi32, #tpu.memory_space<vmem>> -> memref<1x125xi32, #tpu.memory_space<vmem>>
        %dma_wait3A_127 = tpu.memref_squeeze %dma_wait3A_126 : memref<1x125xi32, #tpu.memory_space<vmem>> -> memref<125xi32, #tpu.memory_space<vmem>>
        %dma_wait3A_128 = arith.constant 0 : i32
        %dma_wait3A_129 = arith.constant 0 : i32
        %dma_wait3A_130 = tpu.memref_slice %arg12[%dma_wait3A_128, %dma_wait3A_129] : memref<10240x128xbf16, #tpu.memory_space<vmem_shared>> -> memref<10240x128xbf16, #tpu.memory_space<vmem_shared>>
        tpu.wait_indirect_dma semaphore(%run_scoped3A : memref<!tpu.dma_semaphore, #tpu.memory_space<semaphore_mem>>) src(%arg11 : memref<125x128xbf16, #tpu.memory_space<vmem>>) dst(%dma_wait3A_130 : memref<10240x128xbf16, #tpu.memory_space<vmem_shared>>)
        tpu.yield
      }) : () -> ()
      %add3A_112 = arith.constant 4 : i32
      %add3A_113 = arith.addi %add3A_103, %add3A_112 : i32
      %lt3A_114 = arith.constant 80 : i32
      %lt3A_115 = arith.cmpi slt, %add3A_113, %lt3A_114 : i32
      %convert_element_type3A_116 = arith.extui %lt3A_115 : i1 to i32
      %cond3A_117 = arith.constant 0 : i32
      %cond3A_118 = arith.cmpi ne, %convert_element_type3A_116, %cond3A_117 : i32
      scf.if %cond3A_118 {
        %add3A_119 = arith.constant 4 : i32
        %add3A_120 = arith.addi %add3A_103, %add3A_119 : i32
        %dma_start3A_121 = arith.constant 0 : i32
        %dma_start3A_122 = tpu.memref_slice %arg6[%add3A_120, %dma_start3A_121] : memref<80x125xi32, #tpu.memory_space<vmem>> -> memref<1x125xi32, #tpu.memory_space<vmem>>
        %dma_start3A_123 = tpu.memref_squeeze %dma_start3A_122 : memref<1x125xi32, #tpu.memory_space<vmem>> -> memref<125xi32, #tpu.memory_space<vmem>>
        %dma_start3A_124 = arith.constant 0 : i32
        %dma_start3A_125 = tpu.memref_slice %arg2[%mul3A_0, %dma_start3A_124] : memref<20480x128xbf16, #tpu.memory_space<hbm>> -> memref<10240x128xbf16, #tpu.memory_space<hbm>>
        %dma_start3A_126 = arith.constant 0 : i32
        %dma_start3A_127 = arith.constant 0 : i32
        %dma_start3A_128 = tpu.memref_slice %dma_start3A_125[%dma_start3A_126, %dma_start3A_127] : memref<10240x128xbf16, #tpu.memory_space<hbm>> -> memref<10240x128xbf16, #tpu.memory_space<hbm>>
        tpu.enqueue_indirect_dma source(%dma_start3A_128 : memref<10240x128xbf16, #tpu.memory_space<hbm>>) target(%arg11 : memref<125x128xbf16, #tpu.memory_space<vmem>>) offsets(%dma_start3A_123 : memref<125xi32, #tpu.memory_space<vmem>>) semaphore(%arg16 : memref<!tpu.dma_semaphore, #tpu.memory_space<semaphore_mem>>)
      } else {
      }
    }
    %scan3A_43 = arith.constant 20 : i32
    %barrier3A_44 = arith.constant 0 : index
    tpu.barrier barrier_id(%barrier3A_44)
    %mul3A_45 = arith.constant 640 : i32
    %mul3A_46 = arith.muli %arg1, %mul3A_45 : i32
    %mul3A_47 = arith.constant 10240 : i32
    %mul3A_48 = arith.muli %arg0, %mul3A_47 : i32
    %mul3A_49 = arith.constant 640 : i32
    %mul3A_50 = arith.muli %arg1, %mul3A_49 : i32
    %add3A_51 = arith.addi %mul3A_48, %mul3A_50 : i32
    "tpu.region"() ({
      %run_scoped3A = tpu.sem_alloc : memref<!tpu.dma_semaphore, #tpu.memory_space<semaphore_mem>>
      %dma_start3A_52 = arith.constant 0 : i32
      %dma_start3A_53 = tpu.memref_slice %arg5[%add3A_51, %dma_start3A_52] : memref<20480x128xbf16, #tpu.memory_space<hbm>> -> memref<640x128xbf16, #tpu.memory_space<hbm>>
      %dma_start3A_54 = arith.constant 0 : i32
      %dma_start3A_55 = tpu.memref_slice %arg12[%mul3A_46, %dma_start3A_54] : memref<10240x128xbf16, #tpu.memory_space<vmem_shared>> -> memref<640x128xbf16, #tpu.memory_space<vmem_shared>>
      tpu.enqueue_dma source(%dma_start3A_55 : memref<640x128xbf16, #tpu.memory_space<vmem_shared>>) target(%dma_start3A_53 : memref<640x128xbf16, #tpu.memory_space<hbm>>) target_semaphore(%run_scoped3A : memref<!tpu.dma_semaphore, #tpu.memory_space<semaphore_mem>>)
      %dma_wait3A = arith.constant 0 : i32
      %dma_wait3A_56 = tpu.memref_slice %arg5[%add3A_51, %dma_wait3A] : memref<20480x128xbf16, #tpu.memory_space<hbm>> -> memref<640x128xbf16, #tpu.memory_space<hbm>>
      %dma_wait3A_57 = arith.constant 0 : i32
      %dma_wait3A_58 = tpu.memref_slice %arg12[%mul3A_46, %dma_wait3A_57] : memref<10240x128xbf16, #tpu.memory_space<vmem_shared>> -> memref<640x128xbf16, #tpu.memory_space<vmem_shared>>
      tpu.wait_dma2 semaphore(%run_scoped3A : memref<!tpu.dma_semaphore, #tpu.memory_space<semaphore_mem>>) src(%dma_wait3A_58 : memref<640x128xbf16, #tpu.memory_space<vmem_shared>>) dst(%dma_wait3A_56 : memref<640x128xbf16, #tpu.memory_space<hbm>>)
      tpu.yield
    }) : () -> ()
    return
  }
}

module attributes {stable_mosaic.version = 14 : i64} {
  func.func @_prescale_body(%arg0: i32, %arg1: memref<640x16xf32, #tpu.memory_space<vmem>>, %arg2: memref<640x256xf32, #tpu.memory_space<vmem>>, %arg3: memref<2x640x128xbf16, #tpu.memory_space<vmem>>) attributes {dimension_semantics = [#tpu.dimension_semantics<arbitrary>], iteration_bounds = array<i64: 16>, scalar_prefetch = 0 : i64, scratch_operands = 0 : i64, tpu.core_type = #tpu.core_type<tc>, window_params = [{transform_indices = @transform_0, window_bounds = array<i64: 640, 16>}, {transform_indices = @transform_1, window_bounds = array<i64: 640, 256>}, {transform_indices = @transform_2, window_bounds = array<i64: 2, 640, 128>}]} {
    %get3A = arith.constant 0 : index
    %get3A_0 = arith.constant 0 : index
    %get3A_1 = vector.load %arg2[%get3A, %get3A_0] : memref<640x256xf32, #tpu.memory_space<vmem>>, vector<640x256xf32>
    %get3A_2 = arith.constant 0 : index
    %get3A_3 = arith.constant 0 : index
    %get3A_4 = vector.load %arg1[%get3A_2, %get3A_3] : memref<640x16xf32, #tpu.memory_space<vmem>>, vector<640x1xf32>
    %gt3A = arith.constant 0.000000e+00 : f32
    %gt3A_5 = vector.broadcast %gt3A : f32 to vector<640x1xf32>
    %gt3A_6 = arith.cmpf ogt, %get3A_4, %gt3A_5 : vector<640x1xf32>
    %max3A = arith.constant 9.99999996E-13 : f32
    %max3A_7 = vector.broadcast %max3A : f32 to vector<640x1xf32>
    %max3A_8 = arith.maximumf %get3A_4, %max3A_7 : vector<640x1xf32>
    %rsqrt3A = math.rsqrt %max3A_8 : vector<640x1xf32>
    %jit3A = arith.constant 0.000000e+00 : f32
    %broadcast_in_dim3A = vector.broadcast %jit3A : f32 to vector<640x1xf32>
    %select_n3A = arith.select %gt3A_6, %rsqrt3A, %broadcast_in_dim3A : vector<640x1xi1>, vector<640x1xf32>
    %mul3A = vector.broadcast %select_n3A : vector<640x1xf32> to vector<640x256xf32>
    %mul3A_9 = arith.mulf %get3A_1, %mul3A : vector<640x256xf32>
    %convert_element_type3A = arith.truncf %mul3A_9 : vector<640x256xf32> to vector<640x256xbf16>
    %slice3A = vector.extract_strided_slice %convert_element_type3A {offsets = [0, 0], sizes = [640, 128], strides = [1, 1]} : vector<640x256xbf16> to vector<640x128xbf16>
    %swap3A = arith.constant 0 : index
    %swap3A_10 = arith.constant 0 : index
    %swap3A_11 = arith.constant 0 : index
    %swap3A_12 = vector.load %arg3[%swap3A, %swap3A_10, %swap3A_11] : memref<2x640x128xbf16, #tpu.memory_space<vmem>>, vector<1x640x128xbf16>
    %swap3A_13 = vector.shape_cast %swap3A_12 : vector<1x640x128xbf16> to vector<640x128xbf16>
    %swap3A_14 = vector.shape_cast %slice3A : vector<640x128xbf16> to vector<1x640x128xbf16>
    tpu.vector_store %arg3[%swap3A, %swap3A_10, %swap3A_11], %swap3A_14 {strides = array<i32>} : memref<2x640x128xbf16, #tpu.memory_space<vmem>>, vector<1x640x128xbf16>,
    %slice3A_15 = vector.extract_strided_slice %convert_element_type3A {offsets = [0, 128], sizes = [640, 128], strides = [1, 1]} : vector<640x256xbf16> to vector<640x128xbf16>
    %swap3A_16 = arith.constant 1 : index
    %swap3A_17 = arith.constant 0 : index
    %swap3A_18 = arith.constant 0 : index
    %swap3A_19 = vector.load %arg3[%swap3A_16, %swap3A_17, %swap3A_18] : memref<2x640x128xbf16, #tpu.memory_space<vmem>>, vector<1x640x128xbf16>
    %swap3A_20 = vector.shape_cast %swap3A_19 : vector<1x640x128xbf16> to vector<640x128xbf16>
    %swap3A_21 = vector.shape_cast %slice3A_15 : vector<640x128xbf16> to vector<1x640x128xbf16>
    tpu.vector_store %arg3[%swap3A_16, %swap3A_17, %swap3A_18], %swap3A_21 {strides = array<i32>} : memref<2x640x128xbf16, #tpu.memory_space<vmem>>, vector<1x640x128xbf16>,
    return
  }
  func.func @transform_0(%arg0: i32) -> (i32, i32) {
    %c0_i32 = arith.constant 0 : i32
    %c0_i32_0 = arith.constant 0 : i32
    return %arg0, %c0_i32 : i32, i32
  }
  func.func @transform_1(%arg0: i32) -> (i32, i32) {
    %c0_i32 = arith.constant 0 : i32
    %c0_i32_0 = arith.constant 0 : i32
    return %arg0, %c0_i32 : i32, i32
  }
  func.func @transform_2(%arg0: i32) -> (i32, i32, i32) {
    %c0_i32 = arith.constant 0 : i32
    %c0_i32_0 = arith.constant 0 : i32
    %c0_i32_1 = arith.constant 0 : i32
    return %c0_i32, %arg0, %c0_i32_0 : i32, i32, i32
  }
}

module attributes {stable_mosaic.version = 14 : i64} {
  func.func @_mid_body(%arg0: i32, %arg1: memref<640x16xf32, #tpu.memory_space<vmem>>, %arg2: memref<640x16xf32, #tpu.memory_space<vmem>>, %arg3: memref<20480x128xbf16, #tpu.memory_space<vmem>>, %arg4: memref<256x512xbf16, #tpu.memory_space<vmem>>, %arg5: memref<1x512xf32, #tpu.memory_space<vmem>>, %arg6: memref<512x256xbf16, #tpu.memory_space<vmem>>, %arg7: memref<2x640x128xbf16, #tpu.memory_space<vmem>>) attributes {dimension_semantics = [#tpu.dimension_semantics<arbitrary>], iteration_bounds = array<i64: 16>, scalar_prefetch = 0 : i64, scratch_operands = 0 : i64, tpu.core_type = #tpu.core_type<tc>, window_params = [{transform_indices = @transform_0, window_bounds = array<i64: 640, 16>}, {transform_indices = @transform_1, window_bounds = array<i64: 640, 16>}, {pipeline_mode = #tpu.pipeline_mode<synchronous>, transform_indices = @transform_2, window_bounds = array<i64: 20480, 128>}, {pipeline_mode = #tpu.pipeline_mode<synchronous>, transform_indices = @transform_3, window_bounds = array<i64: 256, 512>}, {pipeline_mode = #tpu.pipeline_mode<synchronous>, transform_indices = @transform_4, window_bounds = array<i64: 1, 512>}, {pipeline_mode = #tpu.pipeline_mode<synchronous>, transform_indices = @transform_5, window_bounds = array<i64: 512, 256>}, {transform_indices = @transform_6, window_bounds = array<i64: 2, 640, 128>}]} {
    %mul3A = arith.constant 640 : i32
    %mul3A_0 = arith.muli %arg0, %mul3A : i32
    %get3A = arith.index_cast %mul3A_0 : i32 to index
    %get3A_1 = arith.constant 0 : index
    %get3A_2 = vector.load %arg3[%get3A, %get3A_1] : memref<20480x128xbf16, #tpu.memory_space<vmem>>, vector<640x128xbf16>
    %mul3A_3 = arith.constant 640 : i32
    %mul3A_4 = arith.muli %arg0, %mul3A_3 : i32
    %add3A = arith.constant 10240 : i32
    %add3A_5 = arith.addi %add3A, %mul3A_4 : i32
    %get3A_6 = arith.index_cast %add3A_5 : i32 to index
    %get3A_7 = arith.constant 0 : index
    %get3A_8 = vector.load %arg3[%get3A_6, %get3A_7] : memref<20480x128xbf16, #tpu.memory_space<vmem>>, vector<640x128xbf16>
    %get3A_9 = arith.constant 0 : index
    %get3A_10 = arith.constant 0 : index
    %get3A_11 = vector.load %arg1[%get3A_9, %get3A_10] : memref<640x16xf32, #tpu.memory_space<vmem>>, vector<640x1xf32>
    %gt3A = arith.constant 0.000000e+00 : f32
    %gt3A_12 = vector.broadcast %gt3A : f32 to vector<640x1xf32>
    %gt3A_13 = arith.cmpf ogt, %get3A_11, %gt3A_12 : vector<640x1xf32>
    %max3A = arith.constant 9.99999996E-13 : f32
    %max3A_14 = vector.broadcast %max3A : f32 to vector<640x1xf32>
    %max3A_15 = arith.maximumf %get3A_11, %max3A_14 : vector<640x1xf32>
    %rsqrt3A = math.rsqrt %max3A_15 : vector<640x1xf32>
    %jit3A = arith.constant 0.000000e+00 : f32
    %broadcast_in_dim3A = vector.broadcast %jit3A : f32 to vector<640x1xf32>
    %select_n3A = arith.select %gt3A_13, %rsqrt3A, %broadcast_in_dim3A : vector<640x1xi1>, vector<640x1xf32>
    %convert_element_type3A = arith.truncf %select_n3A : vector<640x1xf32> to vector<640x1xbf16>
    %concatenate3A = tpu.concatenate %get3A_2, %get3A_8 in 1 : vector<640x128xbf16>, vector<640x128xbf16> -> vector<640x256xbf16>
    %mul3A_16 = vector.broadcast %convert_element_type3A : vector<640x1xbf16> to vector<640x256xbf16>
    %mul3A_17 = arith.mulf %concatenate3A, %mul3A_16 : vector<640x256xbf16>
    %get3A_18 = arith.constant 0 : index
    %get3A_19 = arith.constant 0 : index
    %get3A_20 = vector.load %arg4[%get3A_18, %get3A_19] : memref<256x512xbf16, #tpu.memory_space<vmem>>, vector<256x512xbf16>
    %dot_general3A = arith.constant dense<0.000000e+00> : vector<640x512xf32>
    %dot_general3A_21 = tpu.matmul %mul3A_17, %get3A_20, %dot_general3A {dimension_numbers = #tpu.dot_dimension_numbers<[1], [0], [0], [1], [0, 0, 1, 1], [], []>, transpose_lhs_hint = false} : vector<640x256xbf16>, vector<256x512xbf16>, vector<640x512xf32> -> vector<640x512xf32>
    %get3A_22 = arith.constant 0 : index
    %get3A_23 = arith.constant 0 : index
    %get3A_24 = vector.load %arg5[%get3A_22, %get3A_23] : memref<1x512xf32, #tpu.memory_space<vmem>>, vector<1x512xf32>
    %add3A_25 = vector.broadcast %get3A_24 : vector<1x512xf32> to vector<640x512xf32>
    %add3A_26 = arith.addf %dot_general3A_21, %add3A_25 : vector<640x512xf32>
    %max3A_27 = arith.constant 0.000000e+00 : f32
    %max3A_28 = vector.broadcast %max3A_27 : f32 to vector<640x512xf32>
    %max3A_29 = arith.maximumf %add3A_26, %max3A_28 : vector<640x512xf32>
    %get3A_30 = arith.constant 0 : index
    %get3A_31 = arith.constant 0 : index
    %get3A_32 = vector.load %arg2[%get3A_30, %get3A_31] : memref<640x16xf32, #tpu.memory_space<vmem>>, vector<640x1xf32>
    %gt3A_33 = arith.constant 0.000000e+00 : f32
    %gt3A_34 = vector.broadcast %gt3A_33 : f32 to vector<640x1xf32>
    %gt3A_35 = arith.cmpf ogt, %get3A_32, %gt3A_34 : vector<640x1xf32>
    %max3A_36 = arith.constant 9.99999996E-13 : f32
    %max3A_37 = vector.broadcast %max3A_36 : f32 to vector<640x1xf32>
    %max3A_38 = arith.maximumf %get3A_32, %max3A_37 : vector<640x1xf32>
    %rsqrt3A_39 = math.rsqrt %max3A_38 : vector<640x1xf32>
    %jit3A_40 = arith.constant 0.000000e+00 : f32
    %broadcast_in_dim3A_41 = vector.broadcast %jit3A_40 : f32 to vector<640x1xf32>
    %select_n3A_42 = arith.select %gt3A_35, %rsqrt3A_39, %broadcast_in_dim3A_41 : vector<640x1xi1>, vector<640x1xf32>
    %mul3A_43 = vector.broadcast %select_n3A_42 : vector<640x1xf32> to vector<640x512xf32>
    %mul3A_44 = arith.mulf %max3A_29, %mul3A_43 : vector<640x512xf32>
    %convert_element_type3A_45 = arith.truncf %mul3A_44 : vector<640x512xf32> to vector<640x512xbf16>
    %get3A_46 = arith.constant 0 : index
    %get3A_47 = arith.constant 0 : index
    %get3A_48 = vector.load %arg6[%get3A_46, %get3A_47] : memref<512x256xbf16, #tpu.memory_space<vmem>>, vector<512x256xbf16>
    %dot_general3A_49 = arith.constant dense<0.000000e+00> : vector<640x256xf32>
    %dot_general3A_50 = tpu.matmul %convert_element_type3A_45, %get3A_48, %dot_general3A_49 {dimension_numbers = #tpu.dot_dimension_numbers<[1], [0], [0], [1], [0, 0, 1, 1], [], []>, transpose_lhs_hint = false} : vector<640x512xbf16>, vector<512x256xbf16>, vector<640x256xf32> -> vector<640x256xf32>
    %convert_element_type3A_51 = arith.truncf %dot_general3A_50 : vector<640x256xf32> to vector<640x256xbf16>
    %slice3A = vector.extract_strided_slice %convert_element_type3A_51 {offsets = [0, 0], sizes = [640, 128], strides = [1, 1]} : vector<640x256xbf16> to vector<640x128xbf16>
    %swap3A = arith.constant 0 : index
    %swap3A_52 = arith.constant 0 : index
    %swap3A_53 = arith.constant 0 : index
    %swap3A_54 = vector.load %arg7[%swap3A, %swap3A_52, %swap3A_53] : memref<2x640x128xbf16, #tpu.memory_space<vmem>>, vector<1x640x128xbf16>
    %swap3A_55 = vector.shape_cast %swap3A_54 : vector<1x640x128xbf16> to vector<640x128xbf16>
    %swap3A_56 = vector.shape_cast %slice3A : vector<640x128xbf16> to vector<1x640x128xbf16>
    tpu.vector_store %arg7[%swap3A, %swap3A_52, %swap3A_53], %swap3A_56 {strides = array<i32>} : memref<2x640x128xbf16, #tpu.memory_space<vmem>>, vector<1x640x128xbf16>,
    %slice3A_57 = vector.extract_strided_slice %convert_element_type3A_51 {offsets = [0, 128], sizes = [640, 128], strides = [1, 1]} : vector<640x256xbf16> to vector<640x128xbf16>
    %swap3A_58 = arith.constant 1 : index
    %swap3A_59 = arith.constant 0 : index
    %swap3A_60 = arith.constant 0 : index
    %swap3A_61 = vector.load %arg7[%swap3A_58, %swap3A_59, %swap3A_60] : memref<2x640x128xbf16, #tpu.memory_space<vmem>>, vector<1x640x128xbf16>
    %swap3A_62 = vector.shape_cast %swap3A_61 : vector<1x640x128xbf16> to vector<640x128xbf16>
    %swap3A_63 = vector.shape_cast %slice3A_57 : vector<640x128xbf16> to vector<1x640x128xbf16>
    tpu.vector_store %arg7[%swap3A_58, %swap3A_59, %swap3A_60], %swap3A_63 {strides = array<i32>} : memref<2x640x128xbf16, #tpu.memory_space<vmem>>, vector<1x640x128xbf16>,
    return
  }
  func.func @transform_0(%arg0: i32) -> (i32, i32) {
    %add3A = arith.constant 16 : i32
    %add3A_0 = arith.addi %add3A, %arg0 : i32
    %c0_i32 = arith.constant 0 : i32
    %c0_i32_1 = arith.constant 0 : i32
    return %add3A_0, %c0_i32 : i32, i32
  }
  func.func @transform_1(%arg0: i32) -> (i32, i32) {
    %c0_i32 = arith.constant 0 : i32
    %c0_i32_0 = arith.constant 0 : i32
    return %arg0, %c0_i32 : i32, i32
  }
  func.func @transform_2(%arg0: i32) -> (i32, i32) {
    %c0_i32 = arith.constant 0 : i32
    %c0_i32_0 = arith.constant 0 : i32
    %c0_i32_1 = arith.constant 0 : i32
    return %c0_i32, %c0_i32_0 : i32, i32
  }
  func.func @transform_3(%arg0: i32) -> (i32, i32) {
    %c0_i32 = arith.constant 0 : i32
    %c0_i32_0 = arith.constant 0 : i32
    %c0_i32_1 = arith.constant 0 : i32
    return %c0_i32, %c0_i32_0 : i32, i32
  }
  func.func @transform_4(%arg0: i32) -> (i32, i32) {
    %c0_i32 = arith.constant 0 : i32
    %c0_i32_0 = arith.constant 0 : i32
    %c0_i32_1 = arith.constant 0 : i32
    return %c0_i32, %c0_i32_0 : i32, i32
  }
  func.func @transform_5(%arg0: i32) -> (i32, i32) {
    %c0_i32 = arith.constant 0 : i32
    %c0_i32_0 = arith.constant 0 : i32
    %c0_i32_1 = arith.constant 0 : i32
    return %c0_i32, %c0_i32_0 : i32, i32
  }
  func.func @transform_6(%arg0: i32) -> (i32, i32, i32) {
    %c0_i32 = arith.constant 0 : i32
    %c0_i32_0 = arith.constant 0 : i32
    %c0_i32_1 = arith.constant 0 : i32
    return %c0_i32, %arg0, %c0_i32_0 : i32, i32, i32
  }
}

module attributes {stable_mosaic.version = 14 : i64} {
  func.func @_final_body(%arg0: i32, %arg1: memref<640x16xf32, #tpu.memory_space<vmem>>, %arg2: memref<20480x128xbf16, #tpu.memory_space<vmem>>, %arg3: memref<1x256xf32, #tpu.memory_space<vmem>>, %arg4: memref<256x1xf32, #tpu.memory_space<vmem>>, %arg5: memref<1x1xf32, #tpu.memory_space<vmem>>, %arg6: memref<640x1xf32, #tpu.memory_space<vmem>>) attributes {dimension_semantics = [#tpu.dimension_semantics<arbitrary>], iteration_bounds = array<i64: 16>, scalar_prefetch = 0 : i64, scratch_operands = 0 : i64, tpu.core_type = #tpu.core_type<tc>, window_params = [{transform_indices = @transform_0, window_bounds = array<i64: 640, 16>}, {pipeline_mode = #tpu.pipeline_mode<synchronous>, transform_indices = @transform_1, window_bounds = array<i64: 20480, 128>}, {pipeline_mode = #tpu.pipeline_mode<synchronous>, transform_indices = @transform_2, window_bounds = array<i64: 1, 256>}, {pipeline_mode = #tpu.pipeline_mode<synchronous>, transform_indices = @transform_3, window_bounds = array<i64: 256, 1>}, {pipeline_mode = #tpu.pipeline_mode<synchronous>, transform_indices = @transform_4, window_bounds = array<i64: 1, 1>}, {transform_indices = @transform_5, window_bounds = array<i64: 640, 1>}]} {
    %mul3A = arith.constant 640 : i32
    %mul3A_0 = arith.muli %arg0, %mul3A : i32
    %get3A = arith.index_cast %mul3A_0 : i32 to index
    %get3A_1 = arith.constant 0 : index
    %get3A_2 = vector.load %arg2[%get3A, %get3A_1] : memref<20480x128xbf16, #tpu.memory_space<vmem>>, vector<640x128xbf16>
    %mul3A_3 = arith.constant 640 : i32
    %mul3A_4 = arith.muli %arg0, %mul3A_3 : i32
    %add3A = arith.constant 10240 : i32
    %add3A_5 = arith.addi %add3A, %mul3A_4 : i32
    %get3A_6 = arith.index_cast %add3A_5 : i32 to index
    %get3A_7 = arith.constant 0 : index
    %get3A_8 = vector.load %arg2[%get3A_6, %get3A_7] : memref<20480x128xbf16, #tpu.memory_space<vmem>>, vector<640x128xbf16>
    %concatenate3A = tpu.concatenate %get3A_2, %get3A_8 in 1 : vector<640x128xbf16>, vector<640x128xbf16> -> vector<640x256xbf16>
    %convert_element_type3A = arith.extf %concatenate3A : vector<640x256xbf16> to vector<640x256xf32>
    %get3A_9 = arith.constant 0 : index
    %get3A_10 = arith.constant 0 : index
    %get3A_11 = vector.load %arg1[%get3A_9, %get3A_10] : memref<640x16xf32, #tpu.memory_space<vmem>>, vector<640x1xf32>
    %gt3A = arith.constant 0.000000e+00 : f32
    %gt3A_12 = vector.broadcast %gt3A : f32 to vector<640x1xf32>
    %gt3A_13 = arith.cmpf ogt, %get3A_11, %gt3A_12 : vector<640x1xf32>
    %max3A = arith.constant 9.99999996E-13 : f32
    %max3A_14 = vector.broadcast %max3A : f32 to vector<640x1xf32>
    %max3A_15 = arith.maximumf %get3A_11, %max3A_14 : vector<640x1xf32>
    %rsqrt3A = math.rsqrt %max3A_15 : vector<640x1xf32>
    %jit3A = arith.constant 0.000000e+00 : f32
    %broadcast_in_dim3A = vector.broadcast %jit3A : f32 to vector<640x1xf32>
    %select_n3A = arith.select %gt3A_13, %rsqrt3A, %broadcast_in_dim3A : vector<640x1xi1>, vector<640x1xf32>
    %mul3A_16 = vector.broadcast %select_n3A : vector<640x1xf32> to vector<640x256xf32>
    %mul3A_17 = arith.mulf %convert_element_type3A, %mul3A_16 : vector<640x256xf32>
    %get3A_18 = arith.constant 0 : index
    %get3A_19 = arith.constant 0 : index
    %get3A_20 = vector.load %arg3[%get3A_18, %get3A_19] : memref<1x256xf32, #tpu.memory_space<vmem>>, vector<1x256xf32>
    %add3A_21 = vector.broadcast %get3A_20 : vector<1x256xf32> to vector<640x256xf32>
    %add3A_22 = arith.addf %mul3A_17, %add3A_21 : vector<640x256xf32>
    %max3A_23 = arith.constant 0.000000e+00 : f32
    %max3A_24 = vector.broadcast %max3A_23 : f32 to vector<640x256xf32>
    %max3A_25 = arith.maximumf %add3A_22, %max3A_24 : vector<640x256xf32>
    %get3A_26 = arith.constant 0 : index
    %get3A_27 = arith.constant 0 : index
    %get3A_28 = vector.load %arg4[%get3A_26, %get3A_27] : memref<256x1xf32, #tpu.memory_space<vmem>>, vector<256x1xf32>
    %dot_general3A = arith.constant dense<0.000000e+00> : vector<640x1xf32>
    %dot_general3A_29 = tpu.matmul %max3A_25, %get3A_28, %dot_general3A {dimension_numbers = #tpu.dot_dimension_numbers<[1], [0], [0], [1], [0, 0, 1, 1], [], []>, transpose_lhs_hint = false} : vector<640x256xf32>, vector<256x1xf32>, vector<640x1xf32> -> vector<640x1xf32>
    %get3A_30 = arith.constant 0 : index
    %get3A_31 = arith.constant 0 : index
    %get3A_32 = vector.load %arg5[%get3A_30, %get3A_31] : memref<1x1xf32, #tpu.memory_space<vmem>>, vector<1x1xf32>
    %get3A_33 = vector.shape_cast %get3A_32 : vector<1x1xf32> to vector<1xf32>
    %broadcast_in_dim3A_34 = vector.shape_cast %get3A_33 : vector<1xf32> to vector<1x1xf32>
    %add3A_35 = vector.broadcast %broadcast_in_dim3A_34 : vector<1x1xf32> to vector<640x1xf32>
    %add3A_36 = arith.addf %dot_general3A_29, %add3A_35 : vector<640x1xf32>
    %logistic3A = arith.negf %add3A_36 : vector<640x1xf32>
    %logistic3A_37 = math.exp %logistic3A : vector<640x1xf32>
    %logistic3A_38 = arith.constant 1.000000e+00 : f32
    %logistic3A_39 = vector.broadcast %logistic3A_38 : f32 to vector<640x1xf32>
    %logistic3A_40 = arith.addf %logistic3A_39, %logistic3A_37 : vector<640x1xf32>
    %logistic3A_41 = arith.divf %logistic3A_39, %logistic3A_40 : vector<640x1xf32>
    %swap3A = arith.constant 0 : index
    %swap3A_42 = arith.constant 0 : index
    %swap3A_43 = vector.load %arg6[%swap3A, %swap3A_42] : memref<640x1xf32, #tpu.memory_space<vmem>>, vector<640x1xf32>
    tpu.vector_store %arg6[%swap3A, %swap3A_42], %logistic3A_41 {strides = array<i32>} : memref<640x1xf32, #tpu.memory_space<vmem>>, vector<640x1xf32>,
    return
  }
  func.func @transform_0(%arg0: i32) -> (i32, i32) {
    %add3A = arith.constant 16 : i32
    %add3A_0 = arith.addi %add3A, %arg0 : i32
    %c0_i32 = arith.constant 0 : i32
    %c0_i32_1 = arith.constant 0 : i32
    return %add3A_0, %c0_i32 : i32, i32
  }
  func.func @transform_1(%arg0: i32) -> (i32, i32) {
    %c0_i32 = arith.constant 0 : i32
    %c0_i32_0 = arith.constant 0 : i32
    %c0_i32_1 = arith.constant 0 : i32
    return %c0_i32, %c0_i32_0 : i32, i32
  }
  func.func @transform_2(%arg0: i32) -> (i32, i32) {
    %c0_i32 = arith.constant 0 : i32
    %c0_i32_0 = arith.constant 0 : i32
    %c0_i32_1 = arith.constant 0 : i32
    return %c0_i32, %c0_i32_0 : i32, i32
  }
  func.func @transform_3(%arg0: i32) -> (i32, i32) {
    %c0_i32 = arith.constant 0 : i32
    %c0_i32_0 = arith.constant 0 : i32
    %c0_i32_1 = arith.constant 0 : i32
    return %c0_i32, %c0_i32_0 : i32, i32
  }
  func.func @transform_4(%arg0: i32) -> (i32, i32) {
    %c0_i32 = arith.constant 0 : i32
    %c0_i32_0 = arith.constant 0 : i32
    %c0_i32_1 = arith.constant 0 : i32
    return %c0_i32, %c0_i32_0 : i32, i32
  }
  func.func @transform_5(%arg0: i32) -> (i32, i32) {
    %c0_i32 = arith.constant 0 : i32
    %c0_i32_0 = arith.constant 0 : i32
    return %arg0, %c0_i32 : i32, i32
  }
}

</mosaic_0001>

<sc_bundles>
// kernel: kernel.11.cloned.1.call-start
scs
__scs_entry_jumppad:
0x0: {  	(pc) =	sbr.rel $0x88, $3  }
0x1: {  	(tag) =	ssettag $0x0;
	lr =	simm.s32 $0x1  }
0x2: {  	[smem:$0x3F99] =	sst lr;
	_ =	strace $0xD0000000  }
0x3: {  	_ = 	snop  }
0x4: {  	_ = 	snop  }
0x5: {  	_ = 	snop  }
0x6: {  	_ = 	snop  }
0x7: {  	_ = 	snop  }
__scs_overlays_trampoline_lowered:
0x8: {  	[smem:$0x3FA8] =	sst s0  }
0x9: {  	[smem:$0x3FA9] =	sst s1  }
0xa: {  	[smem:$0x3FAA] =	sst s2  }
0xb: {  	[smem:$0x3FAB] =	sst s3  }
0xc: {  	[smem:$0x3FAC] =	sst s4  }
0xd: {  	[smem:$0x3FAD] =	sst s5  }
0xe: {  	[smem:$0x3FAE] =	sst s6  }
0xf: {  	[smem:$0x3FAF] =	sst s7  }
0x10: {  	[smem:$0x3FB0] =	sst s8  }
0x11: {  	[smem:$0x3FB1] =	sst s9;
	s0 =	simm.s32 @!p0 $0x0  }
0x12: {  	s1 =	sld [smem:$0x3F97];
	s0 =	simm.s32 @p0 $0x1  }
0x13: {  	[smem:$0x3FB2] =	sst s0;
	s0 =	simm.s32 @!p1 $0x0  }
0x14: {  	s2 =	sld [smem:$0x3F96];
	s0 =	simm.s32 @p1 $0x1  }
0x15: {  	[smem:$0x3FB3] =	sst s0;
	s0 =	simm.s32 @!p2 $0x0  }
0x16: {  	s3 =	sld [smem:$0x3FDB];
	s0 =	simm.s32 @p2 $0x1  }
0x17: {  	s4 =	simm.s32 $0x1BF5;
	[smem:$0x3FB5] =	sst s0  }
0x18: {  	s0 =	sld [smem:$0x3F98];
	_ =	swait.ge [sflag:s4], $0x0  }
0x19: {  	s7 =	sld [smem:$0x3F99]  }
0x1a: {  	s8 =	sadd.s32 $0xFFFFE003, lr  }
0x1b: {  	s9 =	sadd.s32 $0xFFFFFEF7, lr;
	s5 =	simm.s32 $0xFFFFFFFF;
	p2 =	slt.u32 s8, $0xFFFFF086  }
0x1c: {  	p1 =	slt.u32 s9, $0xF7A;
	s5 =	simm.s32 @!p2 $0x0  }
0x1d: {  	s5 =	simm.s32 @p1 $0x1;
	p0 =	seq.s32 s7, s2  }
0x1e: {  	s7 =	smul.u32 @!p0 $0xF7A, s2;
	p2 =	seq.s32 @!p0 s5, $0x0  }
0x1f: {  	s9 =	smul.u32 $0xF7A, s1;
	s8 =	simm.s32 @!p0 $0x1BF5;
	p2 =	por !p2, p0  }
0x20: {  	[sflag:s8] =	ssyncset.s32 @!p0 $0xFFFFF086;
	s6 =	sadd.s32 @!p0 s3, s7;
	s7 =	simm.s32 @!p0 $0x108  }
0x21: {  	s3 =	sadd.s32 s3, s9;
	s6 =	sadd.s32 @!p0 $0x88, s6;
	s7 =	simm.s32 @p2 $0x1082  }
0x22: {  	[simem:s7], [sflag:s8] =	dma.local @!p0 [hbm:s6], $0xF7A  }
0x23: {  	s9 =	sor.u32 $0xD0000000, s2;
	s6 =	simm.s32 $0x108;
	_ =	swait.ge @!p0 [sflag:s8], $0x0  }
0x24: {  	s3 =	sadd.s32 $0x88, s3;
	s6 =	simm.s32 @!p1 $0x1082;
	[sflag:s4] =	ssyncset.s32 $0xFFFFF086  }
0x25: {  	[simem:s6], [sflag:s4] =	dma.local [hbm:s3], $0xF7A  }
0x26: {  	[smem:$0x3F99] =	sst s1;
	(tag) =	ssettag s2;
	_ =	strace s9  }
0x27: {  	s1 =	sld [smem:$0x3FA9]  }
0x28: {  	s2 =	sld [smem:$0x3FAA]  }
0x29: {  	s4 =	sld [smem:$0x3FAC]  }
0x2a: {  	p0 =	seq.s32 s5, $0x0;
	s5 =	sld [smem:$0x3FAD]  }
0x2b: {  	s6 =	sld [smem:$0x3FAE]  }
0x2c: {  	s7 =	sld [smem:$0x3FAF]  }
0x2d: {  	s3 =	simm.s32 $0x108;
	s8 =	sld [smem:$0x3FB0]  }
0x2e: {  	s3 =	simm.s32 @!p0 $0x1082;
	s9 =	sld [smem:$0x3FB1]  }
0x2f: {  	lr =	sadd.s32 s0, s3;
	s0 =	sld [smem:$0x3FA8]  }
0x30: {  	s3 =	sld [smem:$0x3FAB]  }
0x31: {  	[smem:$0x3FB4] =	sst s10  }
0x32: {  	s10 =	sld [smem:$0x3FB2];
	_ =	sdelay $0x3  }
0x33: {  	p0 =	seq.s32 s10, $0x1;
	s10 =	sld [smem:$0x3FB4];
	_ =	sdelay $0x3  }
0x34: {  	[smem:$0x3FB4] =	sst s10  }
0x35: {  	s10 =	sld [smem:$0x3FB3];
	_ =	sdelay $0x3  }
0x36: {  	p1 =	seq.s32 s10, $0x1;
	s10 =	sld [smem:$0x3FB4];
	_ =	sdelay $0x3  }
0x37: {  	[smem:$0x3FB4] =	sst s10  }
0x38: {  	s10 =	sld [smem:$0x3FB5]  }
0x39: {  	_ = 	snop;
	(pc) =	sbr.ind lr, $3  }
0x3a: {  	_ = 	snop  }
0x3b: {  	_ = 	snop  }
0x3c: {  	p2 =	seq.s32 s10, $0x1;
	s10 =	sld [smem:$0x3FB4]  }
0x3d: {  	_ =	shalt  }
0x3e: {  	_ =	shalt  }
0x3f: {  	_ =	shalt  }
0x40: {  	_ =	shalt  }
0x41: {  	_ =	shalt  }
0x42: {  	_ =	shalt  }
0x43: {  	_ =	shalt  }
0x44: {  	_ =	shalt  }
0x45: {  	_ =	shalt  }
0x46: {  	_ =	shalt  }
0x47: {  	_ =	shalt  }
0x48: {  	_ =	shalt  }
0x49: {  	_ =	shalt  }
0x4a: {  	_ =	shalt  }
0x4b: {  	_ =	shalt  }
0x4c: {  	_ =	shalt  }
0x4d: {  	_ =	shalt  }
0x4e: {  	_ =	shalt  }
0x4f: {  	_ =	shalt  }
0x50: {  	_ =	shalt  }
0x51: {  	_ =	shalt  }
0x52: {  	_ =	shalt  }
0x53: {  	_ =	shalt  }
0x54: {  	_ =	shalt  }
0x55: {  	_ =	shalt  }
0x56: {  	_ =	shalt  }
0x57: {  	_ =	shalt  }
0x58: {  	_ =	shalt  }
0x59: {  	_ =	shalt  }
0x5a: {  	_ =	shalt  }
0x5b: {  	_ =	shalt  }
0x5c: {  	_ =	shalt  }
0x5d: {  	_ =	shalt  }
0x5e: {  	_ =	shalt  }
0x5f: {  	_ =	shalt  }
0x60: {  	_ =	shalt  }
0x61: {  	_ =	shalt  }
0x62: {  	_ =	shalt  }
0x63: {  	_ =	shalt  }
0x64: {  	_ =	shalt  }
0x65: {  	_ =	shalt  }
0x66: {  	_ =	shalt  }
0x67: {  	_ =	shalt  }
0x68: {  	_ =	shalt  }
0x69: {  	_ =	shalt  }
0x6a: {  	_ =	shalt  }
0x6b: {  	_ =	shalt  }
0x6c: {  	_ =	shalt  }
0x6d: {  	_ =	shalt  }
0x6e: {  	_ =	shalt  }
0x6f: {  	_ =	shalt  }
0x70: {  	_ =	shalt  }
0x71: {  	_ =	shalt  }
0x72: {  	_ =	shalt  }
0x73: {  	_ =	shalt  }
0x74: {  	_ =	shalt  }
0x75: {  	_ =	shalt  }
0x76: {  	_ =	shalt  }
0x77: {  	_ =	shalt  }
0x78: {  	_ =	shalt  }
0x79: {  	_ =	shalt  }
0x7a: {  	_ =	shalt  }
0x7b: {  	_ =	shalt  }
0x7c: {  	_ =	shalt  }
0x7d: {  	_ =	shalt  }
0x7e: {  	_ =	shalt  }
0x7f: {  	_ =	shalt  }
0x80: {  	_ =	shalt  }
0x81: {  	_ =	shalt  }
0x82: {  	_ =	shalt  }
0x83: {  	_ =	shalt  }
0x84: {  	_ =	shalt  }
0x85: {  	_ =	shalt  }
0x86: {  	_ =	shalt  }
0x87: {  	_ =	shalt  }
.Lfunc_end0:
.L_simem_size_0:
called_computation.1_lowered:
.L_overlay_start_0:
0x88: {  	s2 =	sld [smem:$0x3FD9]  }
0x89: {  	s3 =	sld [smem:$0x3FFE];
	_ =	sdelay $0x1  }
0x8a: {  	s1 =	srdreg.scid  }
0x8b: {  	s0 =	sand.u32 $0x1, s1  }
0x8c: {  	s16 =	sshll.u32 s0, $0xA;
	s2 =	sadd.s32 s3, s2  }
0x8d: {  	s2 =	sadd.s32 s2, s16  }
0x8e: {  	[smem:$0x3FC0] =	sst s2  }
0x8f: {  	_ = 	snop  }
0x90: {  	(tm) =	ssettm $0x1  }
0x91: {  	s17 =	sld [smem:$0x3FFB];
	_ =	sdelay $0x3  }
0x92: {  	_ =	strace s17  }
0x93: {  	s2 =	sld [smem:$0x3FFC];
	_ =	sdelay $0x3  }
0x94: {  	_ =	strace s2  }
0x95: {  	s2 =	sld [smem:$0x3FFD];
	_ =	sdelay $0x3  }
0x96: {  	_ =	strace s2  }
0x97: {  	_ =	strace $0x8FFFFFFF  }
0x98: {  	s18 =	sld [smem:$0x3FDB];
	_ =	sdelay $0x1  }
0x99: {  	s19 =	simm.s32 $_scs_section_size  }
0x9a: {  	s4 =	simm.s32 $_size__tile_overlayer_lowered;
	s5 =	simm.s32 $_tile_overlayer_lowered  }
0x9b: {  	s22 =	simm.s32 $0x1BFF;
	s21 =	sshll.u32 s5, $0x1;
	s2 =	sadd.s32 s19, s18  }
0x9c: {  	s6 =	simm.s32 $0x0;
	s20 =	sshll.u32 s4, $0x1;
	s4 =	sadd.s32 s21, s2  }
0x9d: {  	[timem:s6], [sflag:s22] =	dma.local [hbm:s4], s20  }
0x9e: {  	_ =	swait.ge [sflag:s22], s20  }
0x9f: {  	s3 =	ssub.s32 $0x0, s20;
	[sflag:s22] =	ssyncset.done $0x0  }
0xa0: {  	[sflag:s22] =	ssyncadd.s32 s3;
	_ =	sdelay $0x1  }
0xa1: {  	s23 =	simm.s32 $0x1B8B  }
0xa2: {  	_ =	swait.ge [sflag:s23], $0x1  }
0xa3: {  	[sflag:s23] =	ssyncset.done $0x0  }
0xa4: {  	s25 =	simm.s32 $0x1B8E;
	s24 =	sld [smem:$0x3FFE];
	[sflag:s23] =	ssyncadd.s32 $0xFFFFFFFF  }
0xa5: {  	s26 =	simm.s32 $execute0_lowered;
	[smem:$0x3FD2] =	sst s25  }
0xa6: {  	s4 =	sshll.u32 s26, $0x1;
	_ =	strace $0x80000049;
	[dreg:$0x1] =	wrdreg $0xFFFFFFFF  }
0xa7: {  	s28 =	simm.s32 $_size_execute0_lowered;
	s2 =	sadd.s32 s2, s4;
	[dreg:$0x0] =	wrdreg $0x0  }
0xa8: {  	s4 =	sshll.u32 s28, $0x1;
	[dreg:$0x2] =	wrdreg s2  }
0xa9: {  	[dreg:$0x3] =	wrdreg s4  }
0xaa: {  	[dreg:$0x4] =	wrdreg $0xC0  }
0xab: {  	_ =	task [dreg:s6], $0x5FFFF  }
0xac: {  	[dreg:$0x1] =	wrdreg $0xFFFFFFFF  }
0xad: {  	[dreg:$0x0] =	wrdreg $0x60  }
0xae: {  	[dreg:$0x2] =	wrdreg s24  }
0xaf: {  	[dreg:$0x3] =	wrdreg $0xCD000  }
0xb0: {  	[dreg:$0x4] =	wrdreg $0x9  }
0xb1: {  	_ =	task.clear_ibuf [dreg:s6], $0x5FFFF;
	_ =	strace $0x90000049  }
0xb2: {  	s29 =	simm.s32 $0x9;
	_ =	strace $0x8000004B  }
0xb3: {  	_ =	swait.ge [sflag:s29], $0x1  }
0xb4: {  	[sflag:s29] =	ssyncadd.s32 $0xFFFFFFFF  }
0xb5: {  	_ =	strace $0x9000004B  }
0xb6: {  	_ =	sfence  }
0xb7: {  	s30 =	sld [smem:$0x0];
	_ =	sdelay $0x2  }
0xb8: {  	s31 =	sshll.u32 s1, $0xD;
	s1 =	sshrl.u32 s1, $0x2  }
0xb9: {  	s3 =	sand.u32 $0x4000, s31;
	s1 =	sadd.s32 s1, s30  }
0xba: {  	s0 =	sor.u32 s3, s0;
	s1 =	sshll.u32 s1, $0x11  }
0xbb: {  	s0 =	sor.u32 s1, s0  }
0xbc: {  	s0 =	sadd.s32 $0x8F2B, s0  }
0xbd: {  	[sflag:s0] =	ssyncadd.remote.s32 $0x1  }
0xbe: {  	_ =	sfence.sel $0xFFFF  }
0xbf: {  	[dreg:$0x0] =	wrdreg $0xFFFFFFFF;
	(pc) =	sbr.abs _section_cstart, $3  }
0xc0: {  	[dreg:$0x1] =	wrdreg $0xFFFFFFFF  }
0xc1: {  	_ =	task.clear_ibuf [dreg:s6], $0x2FFFF;
	_ =	strace $0x9FFFFFFF  }
0xc2: {  	(tm) =	ssettm $0x7FFFFFFF  }
0xc3: {  	_ =	shalt  }
tec
execute0_lowered:
.L_overlay_start_1:
0x0: {  	(tag) =	ssettag $0x1  }
0x1: {  	s0 =	rddreg [dreg:$0x0]  }
0x2: {  	s1 =	rddreg [dreg:$0x1];
	s2 =	simm.s32 $0x0  }
0x3: {  	s3 =	srdreg.scid;
	s10 =	stileid.u32;
	s12 =	simm.s32 $0x5  }
0x4: {  	s14 =	simm.s32 $0x7D;
	s15 =	simm.s32 $0x5000;
	s16 =	simm.s32 $0x80  }
0x5: {  	s17 =	simm.s32 $0x6F40;
	s18 =	simm.s32 $0x100;
	s19 =	simm.s32 $0x8E80  }
0x6: {  	s20 =	simm.s32 $0x180;
	s21 =	simm.s32 $0xADC0;
	s22 =	simm.s32 $0x1  }
0x7: {  	s28 =	simm.s32 $0x4E80;
	s29 =	simm.s32 $0x4F00;
	s5 =	smul.u32 $0x1400, s10  }
0x8: {  	s30 =	simm.s32 $0x4F80;
	s31 =	simm.s32 $0x0;
	s6 =	smul.u32 $0x28000, s10  }
0x9: {  	[smem:$0x7FF] =	sst s2;
	s3 =	sand.u32 $0x1, s3;
	s9 =	smul.u32 $0x2800, s10  }
0xa: {  	s7 =	sadd.s32 $0x2A00, s0;
	s26 =	sshll.u32 s10, $0x6;
	s10 =	smul.u32 $0x500, s10  }
0xb: {  	s4 =	smul.u32 $0x14000, s3;
	_ =	strace $0x8000004A;
	s3 =	ssub.s32 $0x2, s3  }
0xc: {  	s23 =	sshrl.u32 s3, $0x1;
	s24 =	sshrl.u32 s6, $0x2;
	s25 =	sshrl.u32 s9, $0x3  }
0xd: {  	s8 =	sadd.s32 s4, s0;
	s5 =	sadd.s32 s5, s4;
	s4 =	sadd.s32 $0x16C00, s0  }
0xe: {  	s3 =	ssub.s32 s3, s23;
	s6 =	sadd.s32 s7, s25;
	s11 =	sadd.s32 s24, s1  }
0xf: {  	s7 =	sadd.s32 s7, s10;
	s23 =	simm.s32 $0x2;
	s24 =	simm.s32 $0x3  }
0x10: {  	s25 =	simm.s32 $0x4;
	s0 =	sadd.s32 s5, s0;
	s5 =	sor.u32 $0x1C05, s26  }
0x11: {  	s6 =	sadd.s32 $0x5000, s6;
	s8 =	sadd.s32 $0x68000, s8;
	s10 =	smax.u32 s3, $0x1  }
0x12: {  	s11 =	sshrl.u32 s11, $0x3;
	s26 =	simm.s32 $0x4E00;
	s9 =	sadd.s32 $0x90000, s0  }
.LBB2_1:
0x13: {  	[spmem:s11], [sflag:s5] =	dma.local [hbm:s4], $0x1400  }
0x14: {  	_ =	swait.ge [sflag:s12], $0x1400  }
0x15: {  	[sflag:s12] =	ssyncset.done $0x0  }
0x16: {  	s0 =	simm.s32 $0x2800;
	[sflag:s12] =	ssyncadd.s32 $0xFFFFEC00  }
0x17: {  	[tilespmem:s0], [sflag:$0x5] =	stream.linear.gather [hbm4b:s6+s2], $0x2800, $0x38;
	[tilespmem:$0x16D00] =	vst v63  }
0x18: {  	_ =	swait.ge [sflag:s12], $0x2800  }
0x19: {  	[sflag:s12] =	ssyncset.done $0x0  }
0x1a: {  	[sflag:s12] =	ssyncadd.s32 $0xFFFFD800  }
0x1b: {  	[tilespmem:s2], [sflag:$0x5] =	stream.linear.gather [hbm4b:s7+s2], $0x2800, $0x38;
	[tilespmem:$0x16D00] =	vst v63  }
0x1c: {  	_ =	swait.ge [sflag:s12], $0x2800  }
0x1d: {  	[sflag:s12] =	ssyncset.done $0x0  }
0x1e: {  	[sflag:s12] =	ssyncadd.s32 $0xFFFFD800  }
0x1f: {  	[bflag:$0x0] =	sbarrier.arrive $0xFFFF  }
0x20: {  	[tilespmem:s15], [sflag:$0x1] =	stream.indirect.gather [hbm4b:s8+s14], $0x40, s2, s14, $0xb8;
	[tilespmem:$0x16D00] =	vst v63  }
0x21: {  	_ = 	snop  }
0x22: {  	[tilespmem:s17], [sflag:$0x2] =	stream.indirect.gather [hbm4b:s8+s14], $0x40, s16, s14, $0xb8;
	[tilespmem:$0x16D00] =	vst v63  }
0x23: {  	_ = 	snop  }
0x24: {  	[tilespmem:s19], [sflag:$0x3] =	stream.indirect.gather [hbm4b:s8+s14], $0x40, s18, s14, $0xb8;
	[tilespmem:$0x16D00] =	vst v63  }
0x25: {  	_ = 	snop  }
0x26: {  	[tilespmem:s21], [sflag:$0x4] =	stream.indirect.gather [hbm4b:s8+s14], $0x40, s20, s14, $0xb8;
	[tilespmem:$0x16D00] =	vst v63  }
0x27: {  	_ =	swait.ge [sflag:s22], $0x1F40  }
0x28: {  	[sflag:s22] =	ssyncset.done $0x0  }
0x29: {  	s13 =	simm.s32 $0x2800;
	[sflag:s22] =	ssyncadd.s32 $0xFFFFE0C0  }
0x2a: {  	[spmem:s1] =	stream.indirect.scatter.add.bf16 [tilespmem:s15], [sflag:$0x5], $0x40, s13, s14, $0xb8;
	[tilespmem:$0x16D00] =	vst v63  }
0x2b: {  	_ =	swait.ge [sflag:s12], $0x1F40  }
0x2c: {  	[sflag:s12] =	ssyncset.done $0x0  }
0x2d: {  	s3 =	simm.s32 $0x200;
	[sflag:s12] =	ssyncadd.s32 $0xFFFFE0C0  }
0x2e: {  	[tilespmem:s15], [sflag:$0x1] =	stream.indirect.gather [hbm4b:s8+s14], $0x40, s3, s14, $0xb8;
	[tilespmem:$0x16D00] =	vst v63  }
0x2f: {  	_ =	swait.ge [sflag:s23], $0x1F40  }
0x30: {  	[sflag:s23] =	ssyncset.done $0x0  }
0x31: {  	s13 =	simm.s32 $0x2880;
	[sflag:s23] =	ssyncadd.s32 $0xFFFFE0C0  }
0x32: {  	[spmem:s1] =	stream.indirect.scatter.add.bf16 [tilespmem:s17], [sflag:$0x5], $0x40, s13, s14, $0xb8;
	[tilespmem:$0x16D00] =	vst v63  }
0x33: {  	_ =	swait.ge [sflag:s12], $0x1F40  }
0x34: {  	[sflag:s12] =	ssyncset.done $0x0  }
0x35: {  	s3 =	simm.s32 $0x280;
	[sflag:s12] =	ssyncadd.s32 $0xFFFFE0C0  }
0x36: {  	[tilespmem:s17], [sflag:$0x2] =	stream.indirect.gather [hbm4b:s8+s14], $0x40, s3, s14, $0xb8;
	[tilespmem:$0x16D00] =	vst v63  }
0x37: {  	_ =	swait.ge [sflag:s24], $0x1F40  }
0x38: {  	[sflag:s24] =	ssyncset.done $0x0  }
0x39: {  	s13 =	simm.s32 $0x2900;
	[sflag:s24] =	ssyncadd.s32 $0xFFFFE0C0  }
0x3a: {  	[spmem:s1] =	stream.indirect.scatter.add.bf16 [tilespmem:s19], [sflag:$0x5], $0x40, s13, s14, $0xb8;
	[tilespmem:$0x16D00] =	vst v63  }
0x3b: {  	_ =	swait.ge [sflag:s12], $0x1F40  }
0x3c: {  	[sflag:s12] =	ssyncset.done $0x0  }
0x3d: {  	s3 =	simm.s32 $0x300;
	[sflag:s12] =	ssyncadd.s32 $0xFFFFE0C0  }
0x3e: {  	[tilespmem:s19], [sflag:$0x3] =	stream.indirect.gather [hbm4b:s8+s14], $0x40, s3, s14, $0xb8;
	[tilespmem:$0x16D00] =	vst v63  }
0x3f: {  	_ =	swait.ge [sflag:s25], $0x1F40  }
0x40: {  	[sflag:s25] =	ssyncset.done $0x0  }
0x41: {  	s13 =	simm.s32 $0x2980;
	[sflag:s25] =	ssyncadd.s32 $0xFFFFE0C0  }
0x42: {  	[spmem:s1] =	stream.indirect.scatter.add.bf16 [tilespmem:s21], [sflag:$0x5], $0x40, s13, s14, $0xb8;
	[tilespmem:$0x16D00] =	vst v63  }
0x43: {  	_ =	swait.ge [sflag:s12], $0x1F40  }
0x44: {  	[sflag:s12] =	ssyncset.done $0x0  }
0x45: {  	s0 =	simm.s32 $0x800;
	s3 =	simm.s32 $0x380;
	[sflag:s12] =	ssyncadd.s32 $0xFFFFE0C0  }
.LBB2_2:
0x46: {  	[tilespmem:s21], [sflag:$0x4] =	stream.indirect.gather [hbm4b:s8+s14], $0x40, s3, s14, $0xb8;
	[tilespmem:$0x16D00] =	vst v63  }
0x47: {  	s3 =	smov.u32 s0  }
0x48: {  	p0 =	sne.s32 s0, $0x9000;
	s0 =	sadd.s32 $0x800, s0;
	_ =	swait.ge [sflag:s22], $0x1F40  }
0x49: {  	s3 =	sshra.s32 s3, $0x2;
	[sflag:s22] =	ssyncset.done $0x0  }
0x4a: {  	s13 =	sadd.s32 $0x2800, s3;
	[sflag:s22] =	ssyncadd.s32 $0xFFFFE0C0  }
0x4b: {  	[spmem:s1] =	stream.indirect.scatter.add.bf16 [tilespmem:s15], [sflag:$0x5], $0x40, s13, s14, $0xb8;
	[tilespmem:$0x16D00] =	vst v63  }
0x4c: {  	_ =	swait.ge [sflag:s12], $0x1F40  }
0x4d: {  	[sflag:s12] =	ssyncset.done $0x0  }
0x4e: {  	s13 =	sadd.s32 $0x200, s3;
	[sflag:s12] =	ssyncadd.s32 $0xFFFFE0C0  }
0x4f: {  	[tilespmem:s15], [sflag:$0x1] =	stream.indirect.gather [hbm4b:s8+s14], $0x40, s13, s14, $0xb8;
	[tilespmem:$0x16D00] =	vst v63  }
0x50: {  	_ =	swait.ge [sflag:s23], $0x1F40  }
0x51: {  	[sflag:s23] =	ssyncset.done $0x0  }
0x52: {  	s13 =	sadd.s32 $0x2880, s3;
	[sflag:s23] =	ssyncadd.s32 $0xFFFFE0C0  }
0x53: {  	[spmem:s1] =	stream.indirect.scatter.add.bf16 [tilespmem:s17], [sflag:$0x5], $0x40, s13, s14, $0xb8;
	[tilespmem:$0x16D00] =	vst v63  }
0x54: {  	_ =	swait.ge [sflag:s12], $0x1F40  }
0x55: {  	[sflag:s12] =	ssyncset.done $0x0  }
0x56: {  	s13 =	sadd.s32 $0x280, s3;
	[sflag:s12] =	ssyncadd.s32 $0xFFFFE0C0  }
0x57: {  	[tilespmem:s17], [sflag:$0x2] =	stream.indirect.gather [hbm4b:s8+s14], $0x40, s13, s14, $0xb8;
	[tilespmem:$0x16D00] =	vst v63  }
0x58: {  	_ =	swait.ge [sflag:s24], $0x1F40  }
0x59: {  	[sflag:s24] =	ssyncset.done $0x0  }
0x5a: {  	s13 =	sadd.s32 $0x2900, s3;
	[sflag:s24] =	ssyncadd.s32 $0xFFFFE0C0  }
0x5b: {  	[spmem:s1] =	stream.indirect.scatter.add.bf16 [tilespmem:s19], [sflag:$0x5], $0x40, s13, s14, $0xb8;
	[tilespmem:$0x16D00] =	vst v63  }
0x5c: {  	_ =	swait.ge [sflag:s12], $0x1F40  }
0x5d: {  	[sflag:s12] =	ssyncset.done $0x0  }
0x5e: {  	s13 =	sadd.s32 $0x300, s3;
	[sflag:s12] =	ssyncadd.s32 $0xFFFFE0C0  }
0x5f: {  	[tilespmem:s19], [sflag:$0x3] =	stream.indirect.gather [hbm4b:s8+s14], $0x40, s13, s14, $0xb8;
	[tilespmem:$0x16D00] =	vst v63  }
0x60: {  	_ =	swait.ge [sflag:s25], $0x1F40  }
0x61: {  	[sflag:s25] =	ssyncset.done $0x0  }
.Ltmp0:
0x62: {  	s13 =	sadd.s32 $0x2980, s3;
	[sflag:s25] =	ssyncadd.s32 $0xFFFFE0C0;
	(pc) =	sbr.rel @p0 .LBB2_2-.Ltmp0, $4  }
0x63: {  	[spmem:s1] =	stream.indirect.scatter.add.bf16 [tilespmem:s21], [sflag:$0x5], $0x40, s13, s14, $0xb8;
	[tilespmem:$0x16D00] =	vst v63  }
0x64: {  	_ =	swait.ge [sflag:s12], $0x1F40  }
0x65: {  	[sflag:s12] =	ssyncset.done $0x0  }
0x66: {  	s3 =	sadd.s32 $0x380, s3;
	[sflag:s12] =	ssyncadd.s32 $0xFFFFE0C0  }
0x67: {  	[tilespmem:s21], [sflag:$0x4] =	stream.indirect.gather [hbm4b:s8+s14], $0x40, s3, s14, $0xb8;
	[tilespmem:$0x16D00] =	vst v63  }
0x68: {  	_ =	swait.ge [sflag:s22], $0x1F40  }
0x69: {  	[sflag:s22] =	ssyncset.done $0x0  }
0x6a: {  	[sflag:s22] =	ssyncadd.s32 $0xFFFFE0C0  }
0x6b: {  	[spmem:s1] =	stream.indirect.scatter.add.bf16 [tilespmem:s15], [sflag:$0x5], $0x40, s26, s14, $0xb8;
	[tilespmem:$0x16D00] =	vst v63  }
0x6c: {  	_ =	swait.ge [sflag:s12], $0x1F40  }
0x6d: {  	[sflag:s12] =	ssyncset.done $0x0  }
0x6e: {  	[sflag:s12] =	ssyncadd.s32 $0xFFFFE0C0  }
0x6f: {  	_ =	swait.ge [sflag:s23], $0x1F40  }
0x70: {  	[sflag:s23] =	ssyncset.done $0x0  }
0x71: {  	[sflag:s23] =	ssyncadd.s32 $0xFFFFE0C0  }
0x72: {  	[spmem:s1] =	stream.indirect.scatter.add.bf16 [tilespmem:s17], [sflag:$0x5], $0x40, s28, s14, $0xb8;
	[tilespmem:$0x16D00] =	vst v63  }
0x73: {  	_ =	swait.ge [sflag:s12], $0x1F40  }
0x74: {  	[sflag:s12] =	ssyncset.done $0x0  }
0x75: {  	[sflag:s12] =	ssyncadd.s32 $0xFFFFE0C0  }
0x76: {  	_ =	swait.ge [sflag:s24], $0x1F40  }
0x77: {  	[sflag:s24] =	ssyncset.done $0x0  }
0x78: {  	[sflag:s24] =	ssyncadd.s32 $0xFFFFE0C0  }
0x79: {  	[spmem:s1] =	stream.indirect.scatter.add.bf16 [tilespmem:s19], [sflag:$0x5], $0x40, s29, s14, $0xb8;
	[tilespmem:$0x16D00] =	vst v63  }
0x7a: {  	_ =	swait.ge [sflag:s12], $0x1F40  }
0x7b: {  	[sflag:s12] =	ssyncset.done $0x0  }
0x7c: {  	[sflag:s12] =	ssyncadd.s32 $0xFFFFE0C0  }
0x7d: {  	_ =	swait.ge [sflag:s25], $0x1F40  }
0x7e: {  	[sflag:s25] =	ssyncset.done $0x0  }
0x7f: {  	[sflag:s25] =	ssyncadd.s32 $0xFFFFE0C0  }
0x80: {  	[spmem:s1] =	stream.indirect.scatter.add.bf16 [tilespmem:s21], [sflag:$0x5], $0x40, s30, s14, $0xb8;
	[tilespmem:$0x16D00] =	vst v63  }
0x81: {  	_ =	swait.ge [sflag:s12], $0x1F40  }
0x82: {  	s31 =	sadd.s32 $0x1, s31;
	[sflag:s12] =	ssyncset.done $0x0  }
0x83: {  	p0 =	sne.s32 s31, s10;
	[sflag:s12] =	ssyncadd.s32 $0xFFFFE0C0  }
.Ltmp1:
0x84: {  	[bflag:$0x0] =	sbarrier.arrive $0xFFFF;
	(pc) =	sbr.rel @p0 .LBB2_1-.Ltmp1, $4  }
0x85: {  	[hbm:s9], [sflag:s5] =	dma.local [spmem:s11], $0x1400  }
0x86: {  	_ =	swait.ge [sflag:s12], $0x1400  }
0x87: {  	[sflag:s12] =	ssyncset.done $0x0  }
0x88: {  	[sflag:s12] =	ssyncadd.s32 $0xFFFFEC00  }
0x89: {  	_ =	sfence.sel $0x180000  }
0x8a: {  	[bflag:$0x0] =	sbarrier.arrive $0xFFFF  }
0x8b: {  	_ =	strace $0x9000004A  }
0x8c: {  	s0 =	stileid.u32;
	[bflag:$0x2] =	sbarrier.arrive $0xFFFF  }
0x8d: {  	p0 =	sne.s32 s0, $0x0;
	s0 =	rddreg [dreg:$0x2]  }
0x8e: {  	s0 =	sadd.s32 @!p0 $0x100000, s0  }
0x8f: {  	[sflag:s0] =	ssyncadd.tile.s32 @!p0 $0x1;
	_ =	shalt  }
.Lfunc_end2:
_tile_overlayer_lowered:
.L_overlay_start_2:
0x90: {  	(tag) =	ssettag $0x2  }
0x91: {  	s0 =	rddreg [dreg:$0x0];
	s2 =	stileid.u32  }
0x92: {  	s1 =	rddreg [dreg:$0x1];
	p0 =	sne.s32 s2, $0x0  }
0x93: {  	s3 =	rddreg [dreg:$0x2];
	[bflag:$0x3] =	sbarrier.arrive $0xFFFF;
	s2 =	simm.s32 @!p0 $0x1C05  }
0x94: {  	[timem:s3], [sflag:s2] =	dma.local @!p0 [hbm:s0], s1  }
0x95: {  	s0 =	simm.s32 @!p0 $0x5  }
0x96: {  	_ =	swait.ge @!p0 [sflag:s0], s1  }
0x97: {  	s1 =	ssub.s32 @!p0 $0x0, s1;
	[sflag:s0] =	ssyncset.done @!p0 $0x0  }
0x98: {  	[sflag:s0] =	ssyncadd.s32 @!p0 s1  }
0x99: {  	[bflag:$0x3] =	sbarrier.arrive $0xFFFF  }
0x9a: {  	_ =	shalt  }

// kernel: kernel.14.cloned.1.call-start
scs
__scs_entry_jumppad:
0x0: {  	(pc) =	sbr.rel $0x88, $3  }
0x1: {  	(tag) =	ssettag $0x0;
	lr =	simm.s32 $0x1  }
0x2: {  	[smem:$0x3F99] =	sst lr;
	_ =	strace $0xD0000000  }
0x3: {  	_ = 	snop  }
0x4: {  	_ = 	snop  }
0x5: {  	_ = 	snop  }
0x6: {  	_ = 	snop  }
0x7: {  	_ = 	snop  }
__scs_overlays_trampoline_lowered:
0x8: {  	[smem:$0x3FA8] =	sst s0  }
0x9: {  	[smem:$0x3FA9] =	sst s1  }
0xa: {  	[smem:$0x3FAA] =	sst s2  }
0xb: {  	[smem:$0x3FAB] =	sst s3  }
0xc: {  	[smem:$0x3FAC] =	sst s4  }
0xd: {  	[smem:$0x3FAD] =	sst s5  }
0xe: {  	[smem:$0x3FAE] =	sst s6  }
0xf: {  	[smem:$0x3FAF] =	sst s7  }
0x10: {  	[smem:$0x3FB0] =	sst s8  }
0x11: {  	[smem:$0x3FB1] =	sst s9;
	s0 =	simm.s32 @!p0 $0x0  }
0x12: {  	s1 =	sld [smem:$0x3F97];
	s0 =	simm.s32 @p0 $0x1  }
0x13: {  	[smem:$0x3FB2] =	sst s0;
	s0 =	simm.s32 @!p1 $0x0  }
0x14: {  	s2 =	sld [smem:$0x3F96];
	s0 =	simm.s32 @p1 $0x1  }
0x15: {  	[smem:$0x3FB3] =	sst s0;
	s0 =	simm.s32 @!p2 $0x0  }
0x16: {  	s3 =	sld [smem:$0x3FDB];
	s0 =	simm.s32 @p2 $0x1  }
0x17: {  	s4 =	simm.s32 $0x1BF5;
	[smem:$0x3FB5] =	sst s0  }
0x18: {  	s0 =	sld [smem:$0x3F98];
	_ =	swait.ge [sflag:s4], $0x0  }
0x19: {  	s7 =	sld [smem:$0x3F99]  }
0x1a: {  	s8 =	sadd.s32 $0xFFFFE003, lr  }
0x1b: {  	s9 =	sadd.s32 $0xFFFFFEF7, lr;
	s5 =	simm.s32 $0xFFFFFFFF;
	p2 =	slt.u32 s8, $0xFFFFF086  }
0x1c: {  	p1 =	slt.u32 s9, $0xF7A;
	s5 =	simm.s32 @!p2 $0x0  }
0x1d: {  	s5 =	simm.s32 @p1 $0x1;
	p0 =	seq.s32 s7, s2  }
0x1e: {  	s7 =	smul.u32 @!p0 $0xF7A, s2;
	p2 =	seq.s32 @!p0 s5, $0x0  }
0x1f: {  	s9 =	smul.u32 $0xF7A, s1;
	s8 =	simm.s32 @!p0 $0x1BF5;
	p2 =	por !p2, p0  }
0x20: {  	[sflag:s8] =	ssyncset.s32 @!p0 $0xFFFFF086;
	s6 =	sadd.s32 @!p0 s3, s7;
	s7 =	simm.s32 @!p0 $0x108  }
0x21: {  	s3 =	sadd.s32 s3, s9;
	s6 =	sadd.s32 @!p0 $0x88, s6;
	s7 =	simm.s32 @p2 $0x1082  }
0x22: {  	[simem:s7], [sflag:s8] =	dma.local @!p0 [hbm:s6], $0xF7A  }
0x23: {  	s9 =	sor.u32 $0xD0000000, s2;
	s6 =	simm.s32 $0x108;
	_ =	swait.ge @!p0 [sflag:s8], $0x0  }
0x24: {  	s3 =	sadd.s32 $0x88, s3;
	s6 =	simm.s32 @!p1 $0x1082;
	[sflag:s4] =	ssyncset.s32 $0xFFFFF086  }
0x25: {  	[simem:s6], [sflag:s4] =	dma.local [hbm:s3], $0xF7A  }
0x26: {  	[smem:$0x3F99] =	sst s1;
	(tag) =	ssettag s2;
	_ =	strace s9  }
0x27: {  	s1 =	sld [smem:$0x3FA9]  }
0x28: {  	s2 =	sld [smem:$0x3FAA]  }
0x29: {  	s4 =	sld [smem:$0x3FAC]  }
0x2a: {  	p0 =	seq.s32 s5, $0x0;
	s5 =	sld [smem:$0x3FAD]  }
0x2b: {  	s6 =	sld [smem:$0x3FAE]  }
0x2c: {  	s7 =	sld [smem:$0x3FAF]  }
0x2d: {  	s3 =	simm.s32 $0x108;
	s8 =	sld [smem:$0x3FB0]  }
0x2e: {  	s3 =	simm.s32 @!p0 $0x1082;
	s9 =	sld [smem:$0x3FB1]  }
0x2f: {  	lr =	sadd.s32 s0, s3;
	s0 =	sld [smem:$0x3FA8]  }
0x30: {  	s3 =	sld [smem:$0x3FAB]  }
0x31: {  	[smem:$0x3FB4] =	sst s10  }
0x32: {  	s10 =	sld [smem:$0x3FB2];
	_ =	sdelay $0x3  }
0x33: {  	p0 =	seq.s32 s10, $0x1;
	s10 =	sld [smem:$0x3FB4];
	_ =	sdelay $0x3  }
0x34: {  	[smem:$0x3FB4] =	sst s10  }
0x35: {  	s10 =	sld [smem:$0x3FB3];
	_ =	sdelay $0x3  }
0x36: {  	p1 =	seq.s32 s10, $0x1;
	s10 =	sld [smem:$0x3FB4];
	_ =	sdelay $0x3  }
0x37: {  	[smem:$0x3FB4] =	sst s10  }
0x38: {  	s10 =	sld [smem:$0x3FB5]  }
0x39: {  	_ = 	snop;
	(pc) =	sbr.ind lr, $3  }
0x3a: {  	_ = 	snop  }
0x3b: {  	_ = 	snop  }
0x3c: {  	p2 =	seq.s32 s10, $0x1;
	s10 =	sld [smem:$0x3FB4]  }
0x3d: {  	_ =	shalt  }
0x3e: {  	_ =	shalt  }
0x3f: {  	_ =	shalt  }
0x40: {  	_ =	shalt  }
0x41: {  	_ =	shalt  }
0x42: {  	_ =	shalt  }
0x43: {  	_ =	shalt  }
0x44: {  	_ =	shalt  }
0x45: {  	_ =	shalt  }
0x46: {  	_ =	shalt  }
0x47: {  	_ =	shalt  }
0x48: {  	_ =	shalt  }
0x49: {  	_ =	shalt  }
0x4a: {  	_ =	shalt  }
0x4b: {  	_ =	shalt  }
0x4c: {  	_ =	shalt  }
0x4d: {  	_ =	shalt  }
0x4e: {  	_ =	shalt  }
0x4f: {  	_ =	shalt  }
0x50: {  	_ =	shalt  }
0x51: {  	_ =	shalt  }
0x52: {  	_ =	shalt  }
0x53: {  	_ =	shalt  }
0x54: {  	_ =	shalt  }
0x55: {  	_ =	shalt  }
0x56: {  	_ =	shalt  }
0x57: {  	_ =	shalt  }
0x58: {  	_ =	shalt  }
0x59: {  	_ =	shalt  }
0x5a: {  	_ =	shalt  }
0x5b: {  	_ =	shalt  }
0x5c: {  	_ =	shalt  }
0x5d: {  	_ =	shalt  }
0x5e: {  	_ =	shalt  }
0x5f: {  	_ =	shalt  }
0x60: {  	_ =	shalt  }
0x61: {  	_ =	shalt  }
0x62: {  	_ =	shalt  }
0x63: {  	_ =	shalt  }
0x64: {  	_ =	shalt  }
0x65: {  	_ =	shalt  }
0x66: {  	_ =	shalt  }
0x67: {  	_ =	shalt  }
0x68: {  	_ =	shalt  }
0x69: {  	_ =	shalt  }
0x6a: {  	_ =	shalt  }
0x6b: {  	_ =	shalt  }
0x6c: {  	_ =	shalt  }
0x6d: {  	_ =	shalt  }
0x6e: {  	_ =	shalt  }
0x6f: {  	_ =	shalt  }
0x70: {  	_ =	shalt  }
0x71: {  	_ =	shalt  }
0x72: {  	_ =	shalt  }
0x73: {  	_ =	shalt  }
0x74: {  	_ =	shalt  }
0x75: {  	_ =	shalt  }
0x76: {  	_ =	shalt  }
0x77: {  	_ =	shalt  }
0x78: {  	_ =	shalt  }
0x79: {  	_ =	shalt  }
0x7a: {  	_ =	shalt  }
0x7b: {  	_ =	shalt  }
0x7c: {  	_ =	shalt  }
0x7d: {  	_ =	shalt  }
0x7e: {  	_ =	shalt  }
0x7f: {  	_ =	shalt  }
0x80: {  	_ =	shalt  }
0x81: {  	_ =	shalt  }
0x82: {  	_ =	shalt  }
0x83: {  	_ =	shalt  }
0x84: {  	_ =	shalt  }
0x85: {  	_ =	shalt  }
0x86: {  	_ =	shalt  }
0x87: {  	_ =	shalt  }
.Lfunc_end0:
.L_simem_size_0:
called_computation.2_lowered:
.L_overlay_start_0:
0x88: {  	s2 =	sld [smem:$0x3FD9]  }
0x89: {  	s3 =	sld [smem:$0x3FFE];
	_ =	sdelay $0x1  }
0x8a: {  	s1 =	srdreg.scid  }
0x8b: {  	s0 =	sand.u32 $0x1, s1  }
0x8c: {  	s16 =	sshll.u32 s0, $0xA;
	s2 =	sadd.s32 s3, s2  }
0x8d: {  	s2 =	sadd.s32 s2, s16  }
0x8e: {  	[smem:$0x3FC0] =	sst s2  }
0x8f: {  	_ = 	snop  }
0x90: {  	(tm) =	ssettm $0x1  }
0x91: {  	s17 =	sld [smem:$0x3FFB];
	_ =	sdelay $0x3  }
0x92: {  	_ =	strace s17  }
0x93: {  	s2 =	sld [smem:$0x3FFC];
	_ =	sdelay $0x3  }
0x94: {  	_ =	strace s2  }
0x95: {  	s2 =	sld [smem:$0x3FFD];
	_ =	sdelay $0x3  }
0x96: {  	_ =	strace s2  }
0x97: {  	_ =	strace $0x8FFFFFFF  }
0x98: {  	s18 =	sld [smem:$0x3FDB];
	_ =	sdelay $0x1  }
0x99: {  	s19 =	simm.s32 $_scs_section_size  }
0x9a: {  	s4 =	simm.s32 $_size__tile_overlayer_lowered;
	s5 =	simm.s32 $_tile_overlayer_lowered  }
0x9b: {  	s22 =	simm.s32 $0x1BFF;
	s21 =	sshll.u32 s5, $0x1;
	s2 =	sadd.s32 s19, s18  }
0x9c: {  	s6 =	simm.s32 $0x0;
	s20 =	sshll.u32 s4, $0x1;
	s4 =	sadd.s32 s21, s2  }
0x9d: {  	[timem:s6], [sflag:s22] =	dma.local [hbm:s4], s20  }
0x9e: {  	_ =	swait.ge [sflag:s22], s20  }
0x9f: {  	s3 =	ssub.s32 $0x0, s20;
	[sflag:s22] =	ssyncset.done $0x0  }
0xa0: {  	[sflag:s22] =	ssyncadd.s32 s3;
	_ =	sdelay $0x1  }
0xa1: {  	s23 =	simm.s32 $0x1B8B  }
0xa2: {  	_ =	swait.ge [sflag:s23], $0x1  }
0xa3: {  	[sflag:s23] =	ssyncset.done $0x0  }
0xa4: {  	s25 =	simm.s32 $0x1B8E;
	s24 =	sld [smem:$0x3FFE];
	[sflag:s23] =	ssyncadd.s32 $0xFFFFFFFF  }
0xa5: {  	s26 =	simm.s32 $execute0_lowered;
	[smem:$0x3FD2] =	sst s25  }
0xa6: {  	s4 =	sshll.u32 s26, $0x1;
	_ =	strace $0x8000004C;
	[dreg:$0x1] =	wrdreg $0xFFFFFFFF  }
0xa7: {  	s28 =	simm.s32 $_size_execute0_lowered;
	s2 =	sadd.s32 s2, s4;
	[dreg:$0x0] =	wrdreg $0x0  }
0xa8: {  	s4 =	sshll.u32 s28, $0x1;
	[dreg:$0x2] =	wrdreg s2  }
0xa9: {  	[dreg:$0x3] =	wrdreg s4  }
0xaa: {  	[dreg:$0x4] =	wrdreg $0xC0  }
0xab: {  	_ =	task [dreg:s6], $0x5FFFF  }
0xac: {  	[dreg:$0x1] =	wrdreg $0xFFFFFFFF  }
0xad: {  	[dreg:$0x0] =	wrdreg $0x60  }
0xae: {  	[dreg:$0x2] =	wrdreg s24  }
0xaf: {  	[dreg:$0x3] =	wrdreg $0xCD000  }
0xb0: {  	[dreg:$0x4] =	wrdreg $0x9  }
0xb1: {  	_ =	task.clear_ibuf [dreg:s6], $0x5FFFF;
	_ =	strace $0x9000004C  }
0xb2: {  	s29 =	simm.s32 $0x9;
	_ =	strace $0x8000004E  }
0xb3: {  	_ =	swait.ge [sflag:s29], $0x1  }
0xb4: {  	[sflag:s29] =	ssyncadd.s32 $0xFFFFFFFF  }
0xb5: {  	_ =	strace $0x9000004E  }
0xb6: {  	_ =	sfence  }
0xb7: {  	s30 =	sld [smem:$0x0];
	_ =	sdelay $0x2  }
0xb8: {  	s31 =	sshll.u32 s1, $0xD;
	s1 =	sshrl.u32 s1, $0x2  }
0xb9: {  	s3 =	sand.u32 $0x4000, s31;
	s1 =	sadd.s32 s1, s30  }
0xba: {  	s0 =	sor.u32 s3, s0;
	s1 =	sshll.u32 s1, $0x11  }
0xbb: {  	s0 =	sor.u32 s1, s0  }
0xbc: {  	s0 =	sadd.s32 $0x8F2B, s0  }
0xbd: {  	[sflag:s0] =	ssyncadd.remote.s32 $0x1  }
0xbe: {  	_ =	sfence.sel $0xFFFF  }
0xbf: {  	[dreg:$0x0] =	wrdreg $0xFFFFFFFF;
	(pc) =	sbr.abs _section_cstart, $3  }
0xc0: {  	[dreg:$0x1] =	wrdreg $0xFFFFFFFF  }
0xc1: {  	_ =	task.clear_ibuf [dreg:s6], $0x2FFFF;
	_ =	strace $0x9FFFFFFF  }
0xc2: {  	(tm) =	ssettm $0x7FFFFFFF  }
0xc3: {  	_ =	shalt  }
tec
execute0_lowered:
.L_overlay_start_1:
0x0: {  	(tag) =	ssettag $0x1  }
0x1: {  	s0 =	rddreg [dreg:$0x0]  }
0x2: {  	s1 =	rddreg [dreg:$0x1];
	s2 =	simm.s32 $0x0  }
0x3: {  	s3 =	srdreg.scid;
	s10 =	stileid.u32;
	s12 =	simm.s32 $0x5  }
0x4: {  	s14 =	simm.s32 $0x7D;
	s15 =	simm.s32 $0x5000;
	s16 =	simm.s32 $0x80  }
0x5: {  	s17 =	simm.s32 $0x6F40;
	s18 =	simm.s32 $0x100;
	s19 =	simm.s32 $0x8E80  }
0x6: {  	s20 =	simm.s32 $0x180;
	s21 =	simm.s32 $0xADC0;
	s22 =	simm.s32 $0x1  }
0x7: {  	s28 =	simm.s32 $0x4E80;
	s29 =	simm.s32 $0x4F00;
	s5 =	smul.u32 $0x1400, s10  }
0x8: {  	s30 =	simm.s32 $0x4F80;
	s31 =	simm.s32 $0x0;
	s6 =	smul.u32 $0x28000, s10  }
0x9: {  	[smem:$0x7FF] =	sst s2;
	s3 =	sand.u32 $0x1, s3;
	s9 =	smul.u32 $0x2800, s10  }
0xa: {  	s7 =	sadd.s32 $0x2A00, s0;
	s26 =	sshll.u32 s10, $0x6;
	s10 =	smul.u32 $0x500, s10  }
0xb: {  	s4 =	smul.u32 $0x14000, s3;
	_ =	strace $0x8000004D;
	s3 =	ssub.s32 $0x2, s3  }
0xc: {  	s23 =	sshrl.u32 s3, $0x1;
	s24 =	sshrl.u32 s6, $0x2;
	s25 =	sshrl.u32 s9, $0x3  }
0xd: {  	s8 =	sadd.s32 s4, s0;
	s5 =	sadd.s32 s5, s4;
	s4 =	sadd.s32 $0x16C00, s0  }
0xe: {  	s3 =	ssub.s32 s3, s23;
	s6 =	sadd.s32 s7, s25;
	s11 =	sadd.s32 s24, s1  }
0xf: {  	s7 =	sadd.s32 s7, s10;
	s23 =	simm.s32 $0x2;
	s24 =	simm.s32 $0x3  }
0x10: {  	s25 =	simm.s32 $0x4;
	s0 =	sadd.s32 s5, s0;
	s5 =	sor.u32 $0x1C05, s26  }
0x11: {  	s6 =	sadd.s32 $0x5000, s6;
	s8 =	sadd.s32 $0x18000, s8;
	s10 =	smax.u32 s3, $0x1  }
0x12: {  	s11 =	sshrl.u32 s11, $0x3;
	s26 =	simm.s32 $0x4E00;
	s9 =	sadd.s32 $0x40000, s0  }
.LBB2_1:
0x13: {  	[spmem:s11], [sflag:s5] =	dma.local [hbm:s4], $0x1400  }
0x14: {  	_ =	swait.ge [sflag:s12], $0x1400  }
0x15: {  	[sflag:s12] =	ssyncset.done $0x0  }
0x16: {  	s0 =	simm.s32 $0x2800;
	[sflag:s12] =	ssyncadd.s32 $0xFFFFEC00  }
0x17: {  	[tilespmem:s0], [sflag:$0x5] =	stream.linear.gather [hbm4b:s6+s2], $0x2800, $0x38;
	[tilespmem:$0x16D00] =	vst v63  }
0x18: {  	_ =	swait.ge [sflag:s12], $0x2800  }
0x19: {  	[sflag:s12] =	ssyncset.done $0x0  }
0x1a: {  	[sflag:s12] =	ssyncadd.s32 $0xFFFFD800  }
0x1b: {  	[tilespmem:s2], [sflag:$0x5] =	stream.linear.gather [hbm4b:s7+s2], $0x2800, $0x38;
	[tilespmem:$0x16D00] =	vst v63  }
0x1c: {  	_ =	swait.ge [sflag:s12], $0x2800  }
0x1d: {  	[sflag:s12] =	ssyncset.done $0x0  }
0x1e: {  	[sflag:s12] =	ssyncadd.s32 $0xFFFFD800  }
0x1f: {  	[bflag:$0x0] =	sbarrier.arrive $0xFFFF  }
0x20: {  	[tilespmem:s15], [sflag:$0x1] =	stream.indirect.gather [hbm4b:s8+s14], $0x40, s2, s14, $0xb8;
	[tilespmem:$0x16D00] =	vst v63  }
0x21: {  	_ = 	snop  }
0x22: {  	[tilespmem:s17], [sflag:$0x2] =	stream.indirect.gather [hbm4b:s8+s14], $0x40, s16, s14, $0xb8;
	[tilespmem:$0x16D00] =	vst v63  }
0x23: {  	_ = 	snop  }
0x24: {  	[tilespmem:s19], [sflag:$0x3] =	stream.indirect.gather [hbm4b:s8+s14], $0x40, s18, s14, $0xb8;
	[tilespmem:$0x16D00] =	vst v63  }
0x25: {  	_ = 	snop  }
0x26: {  	[tilespmem:s21], [sflag:$0x4] =	stream.indirect.gather [hbm4b:s8+s14], $0x40, s20, s14, $0xb8;
	[tilespmem:$0x16D00] =	vst v63  }
0x27: {  	_ =	swait.ge [sflag:s22], $0x1F40  }
0x28: {  	[sflag:s22] =	ssyncset.done $0x0  }
0x29: {  	s13 =	simm.s32 $0x2800;
	[sflag:s22] =	ssyncadd.s32 $0xFFFFE0C0  }
0x2a: {  	[spmem:s1] =	stream.indirect.scatter.add.bf16 [tilespmem:s15], [sflag:$0x5], $0x40, s13, s14, $0xb8;
	[tilespmem:$0x16D00] =	vst v63  }
0x2b: {  	_ =	swait.ge [sflag:s12], $0x1F40  }
0x2c: {  	[sflag:s12] =	ssyncset.done $0x0  }
0x2d: {  	s3 =	simm.s32 $0x200;
	[sflag:s12] =	ssyncadd.s32 $0xFFFFE0C0  }
0x2e: {  	[tilespmem:s15], [sflag:$0x1] =	stream.indirect.gather [hbm4b:s8+s14], $0x40, s3, s14, $0xb8;
	[tilespmem:$0x16D00] =	vst v63  }
0x2f: {  	_ =	swait.ge [sflag:s23], $0x1F40  }
0x30: {  	[sflag:s23] =	ssyncset.done $0x0  }
0x31: {  	s13 =	simm.s32 $0x2880;
	[sflag:s23] =	ssyncadd.s32 $0xFFFFE0C0  }
0x32: {  	[spmem:s1] =	stream.indirect.scatter.add.bf16 [tilespmem:s17], [sflag:$0x5], $0x40, s13, s14, $0xb8;
	[tilespmem:$0x16D00] =	vst v63  }
0x33: {  	_ =	swait.ge [sflag:s12], $0x1F40  }
0x34: {  	[sflag:s12] =	ssyncset.done $0x0  }
0x35: {  	s3 =	simm.s32 $0x280;
	[sflag:s12] =	ssyncadd.s32 $0xFFFFE0C0  }
0x36: {  	[tilespmem:s17], [sflag:$0x2] =	stream.indirect.gather [hbm4b:s8+s14], $0x40, s3, s14, $0xb8;
	[tilespmem:$0x16D00] =	vst v63  }
0x37: {  	_ =	swait.ge [sflag:s24], $0x1F40  }
0x38: {  	[sflag:s24] =	ssyncset.done $0x0  }
0x39: {  	s13 =	simm.s32 $0x2900;
	[sflag:s24] =	ssyncadd.s32 $0xFFFFE0C0  }
0x3a: {  	[spmem:s1] =	stream.indirect.scatter.add.bf16 [tilespmem:s19], [sflag:$0x5], $0x40, s13, s14, $0xb8;
	[tilespmem:$0x16D00] =	vst v63  }
0x3b: {  	_ =	swait.ge [sflag:s12], $0x1F40  }
0x3c: {  	[sflag:s12] =	ssyncset.done $0x0  }
0x3d: {  	s3 =	simm.s32 $0x300;
	[sflag:s12] =	ssyncadd.s32 $0xFFFFE0C0  }
0x3e: {  	[tilespmem:s19], [sflag:$0x3] =	stream.indirect.gather [hbm4b:s8+s14], $0x40, s3, s14, $0xb8;
	[tilespmem:$0x16D00] =	vst v63  }
0x3f: {  	_ =	swait.ge [sflag:s25], $0x1F40  }
0x40: {  	[sflag:s25] =	ssyncset.done $0x0  }
0x41: {  	s13 =	simm.s32 $0x2980;
	[sflag:s25] =	ssyncadd.s32 $0xFFFFE0C0  }
0x42: {  	[spmem:s1] =	stream.indirect.scatter.add.bf16 [tilespmem:s21], [sflag:$0x5], $0x40, s13, s14, $0xb8;
	[tilespmem:$0x16D00] =	vst v63  }
0x43: {  	_ =	swait.ge [sflag:s12], $0x1F40  }
0x44: {  	[sflag:s12] =	ssyncset.done $0x0  }
0x45: {  	s0 =	simm.s32 $0x800;
	s3 =	simm.s32 $0x380;
	[sflag:s12] =	ssyncadd.s32 $0xFFFFE0C0  }
.LBB2_2:
0x46: {  	[tilespmem:s21], [sflag:$0x4] =	stream.indirect.gather [hbm4b:s8+s14], $0x40, s3, s14, $0xb8;
	[tilespmem:$0x16D00] =	vst v63  }
0x47: {  	s3 =	smov.u32 s0  }
0x48: {  	p0 =	sne.s32 s0, $0x9000;
	s0 =	sadd.s32 $0x800, s0;
	_ =	swait.ge [sflag:s22], $0x1F40  }
0x49: {  	s3 =	sshra.s32 s3, $0x2;
	[sflag:s22] =	ssyncset.done $0x0  }
0x4a: {  	s13 =	sadd.s32 $0x2800, s3;
	[sflag:s22] =	ssyncadd.s32 $0xFFFFE0C0  }
0x4b: {  	[spmem:s1] =	stream.indirect.scatter.add.bf16 [tilespmem:s15], [sflag:$0x5], $0x40, s13, s14, $0xb8;
	[tilespmem:$0x16D00] =	vst v63  }
0x4c: {  	_ =	swait.ge [sflag:s12], $0x1F40  }
0x4d: {  	[sflag:s12] =	ssyncset.done $0x0  }
0x4e: {  	s13 =	sadd.s32 $0x200, s3;
	[sflag:s12] =	ssyncadd.s32 $0xFFFFE0C0  }
0x4f: {  	[tilespmem:s15], [sflag:$0x1] =	stream.indirect.gather [hbm4b:s8+s14], $0x40, s13, s14, $0xb8;
	[tilespmem:$0x16D00] =	vst v63  }
0x50: {  	_ =	swait.ge [sflag:s23], $0x1F40  }
0x51: {  	[sflag:s23] =	ssyncset.done $0x0  }
0x52: {  	s13 =	sadd.s32 $0x2880, s3;
	[sflag:s23] =	ssyncadd.s32 $0xFFFFE0C0  }
0x53: {  	[spmem:s1] =	stream.indirect.scatter.add.bf16 [tilespmem:s17], [sflag:$0x5], $0x40, s13, s14, $0xb8;
	[tilespmem:$0x16D00] =	vst v63  }
0x54: {  	_ =	swait.ge [sflag:s12], $0x1F40  }
0x55: {  	[sflag:s12] =	ssyncset.done $0x0  }
0x56: {  	s13 =	sadd.s32 $0x280, s3;
	[sflag:s12] =	ssyncadd.s32 $0xFFFFE0C0  }
0x57: {  	[tilespmem:s17], [sflag:$0x2] =	stream.indirect.gather [hbm4b:s8+s14], $0x40, s13, s14, $0xb8;
	[tilespmem:$0x16D00] =	vst v63  }
0x58: {  	_ =	swait.ge [sflag:s24], $0x1F40  }
0x59: {  	[sflag:s24] =	ssyncset.done $0x0  }
0x5a: {  	s13 =	sadd.s32 $0x2900, s3;
	[sflag:s24] =	ssyncadd.s32 $0xFFFFE0C0  }
0x5b: {  	[spmem:s1] =	stream.indirect.scatter.add.bf16 [tilespmem:s19], [sflag:$0x5], $0x40, s13, s14, $0xb8;
	[tilespmem:$0x16D00] =	vst v63  }
0x5c: {  	_ =	swait.ge [sflag:s12], $0x1F40  }
0x5d: {  	[sflag:s12] =	ssyncset.done $0x0  }
0x5e: {  	s13 =	sadd.s32 $0x300, s3;
	[sflag:s12] =	ssyncadd.s32 $0xFFFFE0C0  }
0x5f: {  	[tilespmem:s19], [sflag:$0x3] =	stream.indirect.gather [hbm4b:s8+s14], $0x40, s13, s14, $0xb8;
	[tilespmem:$0x16D00] =	vst v63  }
0x60: {  	_ =	swait.ge [sflag:s25], $0x1F40  }
0x61: {  	[sflag:s25] =	ssyncset.done $0x0  }
.Ltmp0:
0x62: {  	s13 =	sadd.s32 $0x2980, s3;
	[sflag:s25] =	ssyncadd.s32 $0xFFFFE0C0;
	(pc) =	sbr.rel @p0 .LBB2_2-.Ltmp0, $4  }
0x63: {  	[spmem:s1] =	stream.indirect.scatter.add.bf16 [tilespmem:s21], [sflag:$0x5], $0x40, s13, s14, $0xb8;
	[tilespmem:$0x16D00] =	vst v63  }
0x64: {  	_ =	swait.ge [sflag:s12], $0x1F40  }
0x65: {  	[sflag:s12] =	ssyncset.done $0x0  }
0x66: {  	s3 =	sadd.s32 $0x380, s3;
	[sflag:s12] =	ssyncadd.s32 $0xFFFFE0C0  }
0x67: {  	[tilespmem:s21], [sflag:$0x4] =	stream.indirect.gather [hbm4b:s8+s14], $0x40, s3, s14, $0xb8;
	[tilespmem:$0x16D00] =	vst v63  }
0x68: {  	_ =	swait.ge [sflag:s22], $0x1F40  }
0x69: {  	[sflag:s22] =	ssyncset.done $0x0  }
0x6a: {  	[sflag:s22] =	ssyncadd.s32 $0xFFFFE0C0  }
0x6b: {  	[spmem:s1] =	stream.indirect.scatter.add.bf16 [tilespmem:s15], [sflag:$0x5], $0x40, s26, s14, $0xb8;
	[tilespmem:$0x16D00] =	vst v63  }
0x6c: {  	_ =	swait.ge [sflag:s12], $0x1F40  }
0x6d: {  	[sflag:s12] =	ssyncset.done $0x0  }
0x6e: {  	[sflag:s12] =	ssyncadd.s32 $0xFFFFE0C0  }
0x6f: {  	_ =	swait.ge [sflag:s23], $0x1F40  }
0x70: {  	[sflag:s23] =	ssyncset.done $0x0  }
0x71: {  	[sflag:s23] =	ssyncadd.s32 $0xFFFFE0C0  }
0x72: {  	[spmem:s1] =	stream.indirect.scatter.add.bf16 [tilespmem:s17], [sflag:$0x5], $0x40, s28, s14, $0xb8;
	[tilespmem:$0x16D00] =	vst v63  }
0x73: {  	_ =	swait.ge [sflag:s12], $0x1F40  }
0x74: {  	[sflag:s12] =	ssyncset.done $0x0  }
0x75: {  	[sflag:s12] =	ssyncadd.s32 $0xFFFFE0C0  }
0x76: {  	_ =	swait.ge [sflag:s24], $0x1F40  }
0x77: {  	[sflag:s24] =	ssyncset.done $0x0  }
0x78: {  	[sflag:s24] =	ssyncadd.s32 $0xFFFFE0C0  }
0x79: {  	[spmem:s1] =	stream.indirect.scatter.add.bf16 [tilespmem:s19], [sflag:$0x5], $0x40, s29, s14, $0xb8;
	[tilespmem:$0x16D00] =	vst v63  }
0x7a: {  	_ =	swait.ge [sflag:s12], $0x1F40  }
0x7b: {  	[sflag:s12] =	ssyncset.done $0x0  }
0x7c: {  	[sflag:s12] =	ssyncadd.s32 $0xFFFFE0C0  }
0x7d: {  	_ =	swait.ge [sflag:s25], $0x1F40  }
0x7e: {  	[sflag:s25] =	ssyncset.done $0x0  }
0x7f: {  	[sflag:s25] =	ssyncadd.s32 $0xFFFFE0C0  }
0x80: {  	[spmem:s1] =	stream.indirect.scatter.add.bf16 [tilespmem:s21], [sflag:$0x5], $0x40, s30, s14, $0xb8;
	[tilespmem:$0x16D00] =	vst v63  }
0x81: {  	_ =	swait.ge [sflag:s12], $0x1F40  }
0x82: {  	s31 =	sadd.s32 $0x1, s31;
	[sflag:s12] =	ssyncset.done $0x0  }
0x83: {  	p0 =	sne.s32 s31, s10;
	[sflag:s12] =	ssyncadd.s32 $0xFFFFE0C0  }
.Ltmp1:
0x84: {  	[bflag:$0x0] =	sbarrier.arrive $0xFFFF;
	(pc) =	sbr.rel @p0 .LBB2_1-.Ltmp1, $4  }
0x85: {  	[hbm:s9], [sflag:s5] =	dma.local [spmem:s11], $0x1400  }
0x86: {  	_ =	swait.ge [sflag:s12], $0x1400  }
0x87: {  	[sflag:s12] =	ssyncset.done $0x0  }
0x88: {  	[sflag:s12] =	ssyncadd.s32 $0xFFFFEC00  }
0x89: {  	_ =	sfence.sel $0x180000  }
0x8a: {  	[bflag:$0x0] =	sbarrier.arrive $0xFFFF  }
0x8b: {  	_ =	strace $0x9000004D  }
0x8c: {  	s0 =	stileid.u32;
	[bflag:$0x2] =	sbarrier.arrive $0xFFFF  }
0x8d: {  	p0 =	sne.s32 s0, $0x0;
	s0 =	rddreg [dreg:$0x2]  }
0x8e: {  	s0 =	sadd.s32 @!p0 $0x100000, s0  }
0x8f: {  	[sflag:s0] =	ssyncadd.tile.s32 @!p0 $0x1;
	_ =	shalt  }
.Lfunc_end2:
_tile_overlayer_lowered:
.L_overlay_start_2:
0x90: {  	(tag) =	ssettag $0x2  }
0x91: {  	s0 =	rddreg [dreg:$0x0];
	s2 =	stileid.u32  }
0x92: {  	s1 =	rddreg [dreg:$0x1];
	p0 =	sne.s32 s2, $0x0  }
0x93: {  	s3 =	rddreg [dreg:$0x2];
	[bflag:$0x3] =	sbarrier.arrive $0xFFFF;
	s2 =	simm.s32 @!p0 $0x1C05  }
0x94: {  	[timem:s3], [sflag:s2] =	dma.local @!p0 [hbm:s0], s1  }
0x95: {  	s0 =	simm.s32 @!p0 $0x5  }
0x96: {  	_ =	swait.ge @!p0 [sflag:s0], s1  }
0x97: {  	s1 =	ssub.s32 @!p0 $0x0, s1;
	[sflag:s0] =	ssyncset.done @!p0 $0x0  }
0x98: {  	[sflag:s0] =	ssyncadd.s32 @!p0 s1  }
0x99: {  	[bflag:$0x3] =	sbarrier.arrive $0xFFFF  }
0x9a: {  	_ =	shalt  }

// kernel: kernel.8.cloned.1.call-start
scs
__scs_entry_jumppad:
0x0: {  	(pc) =	sbr.rel $0x88, $3  }
0x1: {  	(tag) =	ssettag $0x0;
	lr =	simm.s32 $0x1  }
0x2: {  	[smem:$0x3F99] =	sst lr;
	_ =	strace $0xD0000000  }
0x3: {  	_ = 	snop  }
0x4: {  	_ = 	snop  }
0x5: {  	_ = 	snop  }
0x6: {  	_ = 	snop  }
0x7: {  	_ = 	snop  }
__scs_overlays_trampoline_lowered:
0x8: {  	[smem:$0x3FA8] =	sst s0  }
0x9: {  	[smem:$0x3FA9] =	sst s1  }
0xa: {  	[smem:$0x3FAA] =	sst s2  }
0xb: {  	[smem:$0x3FAB] =	sst s3  }
0xc: {  	[smem:$0x3FAC] =	sst s4  }
0xd: {  	[smem:$0x3FAD] =	sst s5  }
0xe: {  	[smem:$0x3FAE] =	sst s6  }
0xf: {  	[smem:$0x3FAF] =	sst s7  }
0x10: {  	[smem:$0x3FB0] =	sst s8  }
0x11: {  	[smem:$0x3FB1] =	sst s9;
	s0 =	simm.s32 @!p0 $0x0  }
0x12: {  	s1 =	sld [smem:$0x3F97];
	s0 =	simm.s32 @p0 $0x1  }
0x13: {  	[smem:$0x3FB2] =	sst s0;
	s0 =	simm.s32 @!p1 $0x0  }
0x14: {  	s2 =	sld [smem:$0x3F96];
	s0 =	simm.s32 @p1 $0x1  }
0x15: {  	[smem:$0x3FB3] =	sst s0;
	s0 =	simm.s32 @!p2 $0x0  }
0x16: {  	s3 =	sld [smem:$0x3FDB];
	s0 =	simm.s32 @p2 $0x1  }
0x17: {  	s4 =	simm.s32 $0x1BF5;
	[smem:$0x3FB5] =	sst s0  }
0x18: {  	s0 =	sld [smem:$0x3F98];
	_ =	swait.ge [sflag:s4], $0x0  }
0x19: {  	s7 =	sld [smem:$0x3F99]  }
0x1a: {  	s8 =	sadd.s32 $0xFFFFE003, lr  }
0x1b: {  	s9 =	sadd.s32 $0xFFFFFEF7, lr;
	s5 =	simm.s32 $0xFFFFFFFF;
	p2 =	slt.u32 s8, $0xFFFFF086  }
0x1c: {  	p1 =	slt.u32 s9, $0xF7A;
	s5 =	simm.s32 @!p2 $0x0  }
0x1d: {  	s5 =	simm.s32 @p1 $0x1;
	p0 =	seq.s32 s7, s2  }
0x1e: {  	s7 =	smul.u32 @!p0 $0xF7A, s2;
	p2 =	seq.s32 @!p0 s5, $0x0  }
0x1f: {  	s9 =	smul.u32 $0xF7A, s1;
	s8 =	simm.s32 @!p0 $0x1BF5;
	p2 =	por !p2, p0  }
0x20: {  	[sflag:s8] =	ssyncset.s32 @!p0 $0xFFFFF086;
	s6 =	sadd.s32 @!p0 s3, s7;
	s7 =	simm.s32 @!p0 $0x108  }
0x21: {  	s3 =	sadd.s32 s3, s9;
	s6 =	sadd.s32 @!p0 $0x88, s6;
	s7 =	simm.s32 @p2 $0x1082  }
0x22: {  	[simem:s7], [sflag:s8] =	dma.local @!p0 [hbm:s6], $0xF7A  }
0x23: {  	s9 =	sor.u32 $0xD0000000, s2;
	s6 =	simm.s32 $0x108;
	_ =	swait.ge @!p0 [sflag:s8], $0x0  }
0x24: {  	s3 =	sadd.s32 $0x88, s3;
	s6 =	simm.s32 @!p1 $0x1082;
	[sflag:s4] =	ssyncset.s32 $0xFFFFF086  }
0x25: {  	[simem:s6], [sflag:s4] =	dma.local [hbm:s3], $0xF7A  }
0x26: {  	[smem:$0x3F99] =	sst s1;
	(tag) =	ssettag s2;
	_ =	strace s9  }
0x27: {  	s1 =	sld [smem:$0x3FA9]  }
0x28: {  	s2 =	sld [smem:$0x3FAA]  }
0x29: {  	s4 =	sld [smem:$0x3FAC]  }
0x2a: {  	p0 =	seq.s32 s5, $0x0;
	s5 =	sld [smem:$0x3FAD]  }
0x2b: {  	s6 =	sld [smem:$0x3FAE]  }
0x2c: {  	s7 =	sld [smem:$0x3FAF]  }
0x2d: {  	s3 =	simm.s32 $0x108;
	s8 =	sld [smem:$0x3FB0]  }
0x2e: {  	s3 =	simm.s32 @!p0 $0x1082;
	s9 =	sld [smem:$0x3FB1]  }
0x2f: {  	lr =	sadd.s32 s0, s3;
	s0 =	sld [smem:$0x3FA8]  }
0x30: {  	s3 =	sld [smem:$0x3FAB]  }
0x31: {  	[smem:$0x3FB4] =	sst s10  }
0x32: {  	s10 =	sld [smem:$0x3FB2];
	_ =	sdelay $0x3  }
0x33: {  	p0 =	seq.s32 s10, $0x1;
	s10 =	sld [smem:$0x3FB4];
	_ =	sdelay $0x3  }
0x34: {  	[smem:$0x3FB4] =	sst s10  }
0x35: {  	s10 =	sld [smem:$0x3FB3];
	_ =	sdelay $0x3  }
0x36: {  	p1 =	seq.s32 s10, $0x1;
	s10 =	sld [smem:$0x3FB4];
	_ =	sdelay $0x3  }
0x37: {  	[smem:$0x3FB4] =	sst s10  }
0x38: {  	s10 =	sld [smem:$0x3FB5]  }
0x39: {  	_ = 	snop;
	(pc) =	sbr.ind lr, $3  }
0x3a: {  	_ = 	snop  }
0x3b: {  	_ = 	snop  }
0x3c: {  	p2 =	seq.s32 s10, $0x1;
	s10 =	sld [smem:$0x3FB4]  }
0x3d: {  	_ =	shalt  }
0x3e: {  	_ =	shalt  }
0x3f: {  	_ =	shalt  }
0x40: {  	_ =	shalt  }
0x41: {  	_ =	shalt  }
0x42: {  	_ =	shalt  }
0x43: {  	_ =	shalt  }
0x44: {  	_ =	shalt  }
0x45: {  	_ =	shalt  }
0x46: {  	_ =	shalt  }
0x47: {  	_ =	shalt  }
0x48: {  	_ =	shalt  }
0x49: {  	_ =	shalt  }
0x4a: {  	_ =	shalt  }
0x4b: {  	_ =	shalt  }
0x4c: {  	_ =	shalt  }
0x4d: {  	_ =	shalt  }
0x4e: {  	_ =	shalt  }
0x4f: {  	_ =	shalt  }
0x50: {  	_ =	shalt  }
0x51: {  	_ =	shalt  }
0x52: {  	_ =	shalt  }
0x53: {  	_ =	shalt  }
0x54: {  	_ =	shalt  }
0x55: {  	_ =	shalt  }
0x56: {  	_ =	shalt  }
0x57: {  	_ =	shalt  }
0x58: {  	_ =	shalt  }
0x59: {  	_ =	shalt  }
0x5a: {  	_ =	shalt  }
0x5b: {  	_ =	shalt  }
0x5c: {  	_ =	shalt  }
0x5d: {  	_ =	shalt  }
0x5e: {  	_ =	shalt  }
0x5f: {  	_ =	shalt  }
0x60: {  	_ =	shalt  }
0x61: {  	_ =	shalt  }
0x62: {  	_ =	shalt  }
0x63: {  	_ =	shalt  }
0x64: {  	_ =	shalt  }
0x65: {  	_ =	shalt  }
0x66: {  	_ =	shalt  }
0x67: {  	_ =	shalt  }
0x68: {  	_ =	shalt  }
0x69: {  	_ =	shalt  }
0x6a: {  	_ =	shalt  }
0x6b: {  	_ =	shalt  }
0x6c: {  	_ =	shalt  }
0x6d: {  	_ =	shalt  }
0x6e: {  	_ =	shalt  }
0x6f: {  	_ =	shalt  }
0x70: {  	_ =	shalt  }
0x71: {  	_ =	shalt  }
0x72: {  	_ =	shalt  }
0x73: {  	_ =	shalt  }
0x74: {  	_ =	shalt  }
0x75: {  	_ =	shalt  }
0x76: {  	_ =	shalt  }
0x77: {  	_ =	shalt  }
0x78: {  	_ =	shalt  }
0x79: {  	_ =	shalt  }
0x7a: {  	_ =	shalt  }
0x7b: {  	_ =	shalt  }
0x7c: {  	_ =	shalt  }
0x7d: {  	_ =	shalt  }
0x7e: {  	_ =	shalt  }
0x7f: {  	_ =	shalt  }
0x80: {  	_ =	shalt  }
0x81: {  	_ =	shalt  }
0x82: {  	_ =	shalt  }
0x83: {  	_ =	shalt  }
0x84: {  	_ =	shalt  }
0x85: {  	_ =	shalt  }
0x86: {  	_ =	shalt  }
0x87: {  	_ =	shalt  }
.Lfunc_end0:
.L_simem_size_0:
called_computation_lowered:
.L_overlay_start_0:
0x88: {  	s2 =	sld [smem:$0x3FD9]  }
0x89: {  	s3 =	sld [smem:$0x3FFE];
	_ =	sdelay $0x1  }
0x8a: {  	s1 =	srdreg.scid  }
0x8b: {  	s0 =	sand.u32 $0x1, s1  }
0x8c: {  	s17 =	sshll.u32 s0, $0xA;
	s2 =	sadd.s32 s3, s2  }
0x8d: {  	s2 =	sadd.s32 s2, s17  }
0x8e: {  	[smem:$0x3FC0] =	sst s2  }
0x8f: {  	_ = 	snop  }
0x90: {  	s2 =	sld [smem:$0x3FD0];
	(tm) =	ssettm $0x1  }
0x91: {  	s18 =	sld [smem:$0x3FFB];
	_ =	sdelay $0x3  }
0x92: {  	_ =	strace s18  }
0x93: {  	s3 =	sld [smem:$0x3FFC];
	_ =	sdelay $0x3  }
0x94: {  	_ =	strace s3  }
0x95: {  	s3 =	sld [smem:$0x3FFD];
	_ =	sdelay $0x3  }
0x96: {  	_ =	strace s3  }
0x97: {  	_ =	strace $0x8FFFFFFF  }
0x98: {  	s19 =	sld [smem:$0x3FDB];
	_ =	sdelay $0x1  }
0x99: {  	s4 =	simm.s32 $_scs_section_size  }
0x9a: {  	s5 =	simm.s32 $_size__tile_overlayer_lowered;
	s6 =	simm.s32 $_tile_overlayer_lowered  }
0x9b: {  	s22 =	simm.s32 $0x1BFF;
	s21 =	sshll.u32 s6, $0x1;
	s3 =	sadd.s32 s4, s19  }
0x9c: {  	s7 =	simm.s32 $0x0;
	s20 =	sshll.u32 s5, $0x1;
	s5 =	sadd.s32 s21, s3  }
0x9d: {  	[timem:s7], [sflag:s22] =	dma.local [hbm:s5], s20  }
0x9e: {  	_ =	swait.ge [sflag:s22], s20  }
0x9f: {  	s4 =	ssub.s32 $0x0, s20;
	[sflag:s22] =	ssyncset.done $0x0  }
0xa0: {  	[sflag:s22] =	ssyncadd.s32 s4;
	_ =	sdelay $0x1  }
0xa1: {  	s23 =	simm.s32 $0x1B8B  }
0xa2: {  	_ =	swait.ge [sflag:s23], $0x1  }
0xa3: {  	[sflag:s23] =	ssyncset.done $0x0  }
0xa4: {  	s25 =	simm.s32 $0x1B8E;
	s24 =	sld [smem:$0x3FFE];
	[sflag:s23] =	ssyncadd.s32 $0xFFFFFFFF  }
0xa5: {  	s26 =	simm.s32 $execute0_lowered;
	[smem:$0x3FD2] =	sst s25  }
0xa6: {  	s5 =	sshll.u32 s26, $0x1;
	_ =	strace $0x80000046;
	[dreg:$0x1] =	wrdreg $0xFFFFFFFF  }
0xa7: {  	s28 =	simm.s32 $_size_execute0_lowered;
	s3 =	sadd.s32 s3, s5;
	[dreg:$0x0] =	wrdreg $0x0  }
0xa8: {  	s5 =	sshll.u32 s28, $0x1;
	[dreg:$0x2] =	wrdreg s3  }
0xa9: {  	[dreg:$0x3] =	wrdreg s5  }
0xaa: {  	[dreg:$0x4] =	wrdreg $0xC0  }
0xab: {  	_ =	task [dreg:s7], $0x5FFFF  }
0xac: {  	[dreg:$0x1] =	wrdreg $0xFFFFFFFF  }
0xad: {  	[dreg:$0x0] =	wrdreg $0x60  }
0xae: {  	[dreg:$0x2] =	wrdreg s24  }
0xaf: {  	[dreg:$0x3] =	wrdreg s2  }
0xb0: {  	[dreg:$0x4] =	wrdreg $0x2FD00  }
0xb1: {  	[dreg:$0x5] =	wrdreg $0x9  }
0xb2: {  	_ =	task.clear_ibuf [dreg:s7], $0x6FFFF;
	_ =	strace $0x90000046  }
0xb3: {  	s29 =	simm.s32 $0x9;
	_ =	strace $0x80000048  }
0xb4: {  	_ =	swait.ge [sflag:s29], $0x1  }
0xb5: {  	[sflag:s29] =	ssyncadd.s32 $0xFFFFFFFF  }
0xb6: {  	_ =	strace $0x90000048  }
0xb7: {  	_ =	sfence  }
0xb8: {  	s30 =	sld [smem:$0x0];
	_ =	sdelay $0x2  }
0xb9: {  	s31 =	sshll.u32 s1, $0xD;
	s1 =	sshrl.u32 s1, $0x2  }
0xba: {  	s3 =	sand.u32 $0x4000, s31;
	s1 =	sadd.s32 s1, s30  }
0xbb: {  	s0 =	sor.u32 s3, s0;
	s1 =	sshll.u32 s1, $0x11  }
0xbc: {  	s0 =	sor.u32 s1, s0  }
0xbd: {  	s0 =	sadd.s32 $0x8F2B, s0  }
0xbe: {  	[sflag:s0] =	ssyncadd.remote.s32 $0x1  }
0xbf: {  	_ =	sfence.sel $0xFFFF  }
0xc0: {  	[dreg:$0x0] =	wrdreg $0xFFFFFFFF;
	(pc) =	sbr.abs _section_cstart, $3  }
0xc1: {  	[dreg:$0x1] =	wrdreg $0xFFFFFFFF  }
0xc2: {  	_ =	task.clear_ibuf [dreg:s7], $0x2FFFF;
	_ =	strace $0x9FFFFFFF  }
0xc3: {  	(tm) =	ssettm $0x7FFFFFFF  }
tec
execute0_lowered:
.L_overlay_start_1:
0x0: {  	(tag) =	ssettag $0x1  }
0x1: {  	s0 =	srdreg.scid;
	s7 =	rddreg [dreg:$0x0]  }
0x2: {  	s2 =	rddreg [dreg:$0x1];
	s6 =	sand.u32 $0x1, s0;
	s0 =	stileid.u32  }
0x3: {  	s3 =	rddreg [dreg:$0x2];
	s4 =	simm.s32 $0x0;
	s8 =	smul.u32 $0x500, s0  }
0x4: {  	s13 =	simm.s32 $0x7D;
	s14 =	simm.s32 $0x0;
	s9 =	smul.u32 $0x5000, s6  }
0x5: {  	[smem:$0x7FF] =	sst s4;
	s1 =	sshll.u32 s6, $0x4;
	s11 =	smul.u32 $0xA000, s0  }
0x6: {  	s6 =	ssub.s32 $0x2, s6;
	s31 =	sshll.u32 s0, $0x6;
	s1 =	sor.u32 s0, s1  }
0x7: {  	s28 =	sshrl.u32 s6, $0x1;
	s5 =	smul.u32 $0x500, s1;
	s1 =	rddreg [dreg:$0x3]  }
0x8: {  	_ =	strace $0x80000047;
	s8 =	sadd.s32 s8, s9;
	s29 =	sshrl.u32 s11, $0x2  }
0x9: {  	s30 =	ssub.s32 s6, s28;
	s6 =	sor.u32 $0x1C01, s31;
	s11 =	simm.s32 $0x1  }
0xa: {  	s8 =	sadd.s32 s8, s7;
	s12 =	sadd.s32 s29, s3;
	s9 =	smax.u32 s30, $0x1  }
0xb: {  	s10 =	sadd.s32 s5, s7;
	s5 =	sadd.s32 $0xCA00, s7;
	s8 =	sadd.s32 $0xCC00, s8  }
0xc: {  	s7 =	sadd.s32 $0x2A00, s10;
	s10 =	sshrl.u32 s12, $0x3;
	s12 =	simm.s32 $0x2800  }
.LBB2_1:
0xd: {  	[spmem:s10], [sflag:s6] =	dma.local [hbm:s2], $0x500  }
0xe: {  	_ =	swait.ge [sflag:s11], $0x500  }
0xf: {  	[sflag:s11] =	ssyncset.done $0x0  }
0x10: {  	[sflag:s11] =	ssyncadd.s32 $0xFFFFFB00  }
0x11: {  	[tilespmem:s12], [sflag:$0x1] =	stream.linear.gather [hbm4b:s5+s4], $0x7D0, $0x38;
	[tilespmem:$0x57D0] =	vst v63  }
0x12: {  	_ =	swait.ge [sflag:s11], $0x7D0  }
0x13: {  	[sflag:s11] =	ssyncset.done $0x0  }
0x14: {  	[sflag:s11] =	ssyncadd.s32 $0xFFFFF830  }
0x15: {  	[tilespmem:s4], [sflag:$0x1] =	stream.linear.gather [hbm4b:s7+s4], $0x2800, $0x38;
	[tilespmem:$0x57D0] =	vst v63  }
0x16: {  	_ =	swait.ge [sflag:s11], $0x2800  }
0x17: {  	[sflag:s11] =	ssyncset.done $0x0  }
0x18: {  	[sflag:s11] =	ssyncadd.s32 $0xFFFFD800  }
0x19: {  	s15 =	simm.s32 $0x0;
	[bflag:$0x0] =	sbarrier.arrive $0xFFFF  }
0x1a: {  	[spmem:s3] =	stream.indirect.scatter.add.f32 [tilespmem:s12], [sflag:$0x1], $0x10, s15, s13, $0xb8;
	[tilespmem:$0x57D0] =	vst v63  }
0x1b: {  	_ =	swait.ge [sflag:s11], $0x7D0  }
0x1c: {  	s15 =	simm.s32 $0x200;
	[sflag:s11] =	ssyncset.done $0x0  }
.LBB2_2:
0x1d: {  	s16 =	sshra.s32 s15, $0x2;
	[sflag:s11] =	ssyncadd.s32 $0xFFFFF830;
	p0 =	sne.s32 s15, $0x9E00  }
0x1e: {  	[spmem:s3] =	stream.indirect.scatter.add.f32 [tilespmem:s12], [sflag:$0x1], $0x10, s16, s13, $0xb8;
	[tilespmem:$0x57D0] =	vst v63  }
.Ltmp0:
0x1f: {  	_ = 	snop;
	(pc) =	sbr.rel @p0 .LBB2_2-.Ltmp0, $4  }
0x20: {  	_ = 	snop  }
0x21: {  	s15 =	sadd.s32 $0x200, s15  }
0x22: {  	_ =	swait.ge [sflag:s11], $0x7D0  }
0x23: {  	[sflag:s11] =	ssyncset.done $0x0  }
0x24: {  	s14 =	sadd.s32 $0x1, s14  }
0x25: {  	[sflag:s11] =	ssyncadd.s32 $0xFFFFF830;
	p0 =	sne.s32 s14, s9  }
.Ltmp1:
0x26: {  	[bflag:$0x0] =	sbarrier.arrive $0xFFFF;
	(pc) =	sbr.rel @p0 .LBB2_1-.Ltmp1, $4  }
0x27: {  	[hbm:s8], [sflag:s6] =	dma.local [spmem:s10], $0x500  }
0x28: {  	_ =	swait.ge [sflag:s11], $0x500  }
0x29: {  	[sflag:s11] =	ssyncset.done $0x0  }
0x2a: {  	[sflag:s11] =	ssyncadd.s32 $0xFFFFFB00  }
0x2b: {  	_ =	sfence.sel $0x180000  }
0x2c: {  	[bflag:$0x0] =	sbarrier.arrive $0xFFFF  }
0x2d: {  	p0 =	sne.s32 s0, $0x0;
	_ =	strace $0x90000047  }
0x2e: {  	s0 =	sadd.s32 @!p0 $0x100000, s1;
	[bflag:$0x2] =	sbarrier.arrive $0xFFFF  }
0x2f: {  	[sflag:s0] =	ssyncadd.tile.s32 @!p0 $0x1;
	_ =	shalt  }
.Lfunc_end2:
_tile_overlayer_lowered:
.L_overlay_start_2:
0x30: {  	(tag) =	ssettag $0x2  }
0x31: {  	s0 =	rddreg [dreg:$0x0];
	s2 =	stileid.u32  }
0x32: {  	s1 =	rddreg [dreg:$0x1];
	p0 =	sne.s32 s2, $0x0  }
0x33: {  	s3 =	rddreg [dreg:$0x2];
	[bflag:$0x3] =	sbarrier.arrive $0xFFFF;
	s2 =	simm.s32 @!p0 $0x1C01  }
0x34: {  	[timem:s3], [sflag:s2] =	dma.local @!p0 [hbm:s0], s1  }
0x35: {  	s0 =	simm.s32 @!p0 $0x1  }
0x36: {  	_ =	swait.ge @!p0 [sflag:s0], s1  }
0x37: {  	s1 =	ssub.s32 @!p0 $0x0, s1;
	[sflag:s0] =	ssyncset.done @!p0 $0x0  }
0x38: {  	[sflag:s0] =	ssyncadd.s32 @!p0 s1  }
0x39: {  	[bflag:$0x3] =	sbarrier.arrive $0xFFFF  }
0x3a: {  	_ =	shalt  }

</sc_bundles>
